<compile_context>
chip_gen: v7x
topology: tpu7x:2x2x1
jax: 0.10.2.dev20260603
libtpu: 0.0.44.dev20260713+nightly
codegen_flags: <defaults>
</compile_context>

<pallas_src>
import functools

import jax
import jax.numpy as jnp
from jax import lax
from jax.experimental import pallas as pl
from jax.experimental.pallas import tpu as pltpu
from jax.experimental.pallas import tpu_sc as plsc

D = 128
NC = 2
NS = 16
NW = NC * NS
CHUNK = 128
LANES = 16
CORE0_FRAC = 0.8
SR = 128


def _mlp_block(h, w1_ref, b1_ref, w2_ref, b2_ref):
    h = jnp.dot(h, w1_ref[...], preferred_element_type=jnp.float32) + b1_ref[...]
    h = jnp.maximum(h, 0.0)
    return jnp.dot(h, w2_ref[...], preferred_element_type=jnp.float32) + b2_ref[...]


def _mlp1_body(x_ref, w1_ref, b1_ref, w2_ref, b2_ref, o_ref):
    o_ref[...] = _mlp_block(x_ref[...], w1_ref, b1_ref, w2_ref, b2_ref)


def _mlp2_body(x_ref, a_ref, w1_ref, b1_ref, w2_ref, b2_ref, o_ref):
    h = x_ref[...] + a_ref[0] + a_ref[1]
    o_ref[...] = _mlp_block(h, w1_ref, b1_ref, w2_ref, b2_ref)


_W_SPEC = pl.BlockSpec((D, D), lambda i: (0, 0))
_B_SPEC = pl.BlockSpec((1, D), lambda i: (0, 0))


def _mlp1(x, W1, b1, W2, b2, blk):
    n = x.shape[0]
    spec = pl.BlockSpec((blk, D), lambda i: (i, 0))
    return pl.pallas_call(
        _mlp1_body,
        grid=(n // blk,),
        in_specs=[spec, _W_SPEC, _B_SPEC, _W_SPEC, _B_SPEC],
        out_specs=spec,
        out_shape=jax.ShapeDtypeStruct((n, D), jnp.float32),
    )(x, W1, b1, W2, b2)


def _mlp2(x, parts, W1, b1, W2, b2, blk):
    n = x.shape[0]
    spec = pl.BlockSpec((blk, D), lambda i: (i, 0))
    part_spec = pl.BlockSpec((NC, blk, D), lambda i: (0, i, 0))
    return pl.pallas_call(
        _mlp2_body,
        grid=(n // blk,),
        in_specs=[spec, part_spec, _W_SPEC, _B_SPEC, _W_SPEC, _B_SPEC],
        out_specs=spec,
        out_shape=jax.ShapeDtypeStruct((n, D), jnp.float32),
    )(x, parts, W1, b1, W2, b2)


def _make_sc_scatter(n_pad, cpt0, cpt1):
    rows_per_tile = n_pad // NS
    wchunks = rows_per_tile // CHUNK
    wrem = rows_per_tile - wchunks * CHUNK
    mesh = plsc.VectorSubcoreMesh(core_axis_name="c", subcore_axis_name="s")

    rounds = (max(cpt0, cpt1) + SR - 1) // SR

    @functools.partial(
        pl.kernel,
        mesh=mesh,
        out_type=jax.ShapeDtypeStruct((NC, n_pad, D), jnp.float32),
        scratch_types=[
            pltpu.VMEM((SR, CHUNK), jnp.int32),
            pltpu.VMEM((2, CHUNK), jnp.int32),
            pltpu.VMEM((2, CHUNK), jnp.int32),
            pltpu.VMEM((CHUNK, D), jnp.float32),
            pltpu.VMEM((CHUNK, D), jnp.float32),
            pltpu.VMEM_SHARED((n_pad, D), jnp.float32),
            pltpu.SemaphoreType.DMA,
            pltpu.SemaphoreType.DMA,
            pltpu.SemaphoreType.DMA,
            pltpu.SemaphoreType.DMA,
        ],
    )
    def sc_kernel(h_hbm, pk_hbm, z_hbm, out_hbm,
                  pk_v, cidx, ridx, g0, g1, acc,
                  gsem0, gsem1, ssem0, ssem1):
        cid = lax.axis_index("c")
        sid = lax.axis_index("s")
        row_base = sid * rows_per_tile
        gbuf = (g0, g1)
        gsem = (gsem0, gsem1)
        ssem = (ssem0, ssem1)
        ebase = jnp.where(cid == 0, sid * cpt0, NS * cpt0 + sid * cpt1)
        my_cpt = jnp.where(cid == 0, cpt0, cpt1)

        with jax.named_scope("phase_init"):
            pltpu.sync_copy(z_hbm, g0)
            for k in range(wchunks):
                pltpu.sync_copy(g0, acc.at[pl.ds(row_base + k * CHUNK, CHUNK)])
            if wrem:
                pltpu.sync_copy(
                    g0.at[pl.ds(0, wrem)],
                    acc.at[pl.ds(row_base + wchunks * CHUNK, wrem)])
            plsc.subcore_barrier()

        def unpack(j, b):
            for c in range(CHUNK // LANES):
                v = pk_v[j, pl.ds(c * LANES, LANES)]
                cidx[b, pl.ds(c * LANES, LANES)] = lax.bitwise_and(v, 0xFFFF)
                ridx[b, pl.ds(c * LANES, LANES)] = lax.shift_right_logical(v, 16)

        def start_gather(b):
            pltpu.async_copy(h_hbm.at[cidx.at[b]], gbuf[b], gsem[b])

        def wait_gather(b):
            pltpu.make_async_copy(h_hbm.at[cidx.at[b]], gbuf[b], gsem[b]).wait()

        def start_scatter(b):
            pltpu.async_copy(gbuf[b], acc.at[ridx.at[b]], ssem[b], add=True)

        def wait_scatter(b):
            pltpu.make_async_copy(
                gbuf[b], acc.at[ridx.at[b]], ssem[b]).wait()

        with jax.named_scope("phase_main"):
            for r in range(rounds):
                npairs = jnp.clip(my_cpt - r * SR, 0, SR) // 2

                @pl.when(npairs > 0)
                def _(r=r, npairs=npairs):
                    pltpu.sync_copy(pk_hbm.at[pl.ds(ebase + r * SR, SR)], pk_v)
                    unpack(0, 0)
                    start_gather(0)

                    def pair(t, carry):
                        wait_gather(0)
                        start_scatter(0)

                        @pl.when(t > 0)
                        def _():
                            wait_scatter(1)
                        unpack(2 * t + 1, 1)
                        start_gather(1)

                        wait_gather(1)
                        start_scatter(1)
                        wait_scatter(0)

                        @pl.when(t < npairs - 1)
                        def _():
                            unpack(2 * t + 2, 0)
                            start_gather(0)
                        return carry
                    lax.fori_loop(0, npairs, pair, 0)
                    wait_scatter(1)

            plsc.subcore_barrier()

        with jax.named_scope("phase_writeout"):
            for k in range(wchunks):
                r0 = row_base + k * CHUNK
                pltpu.sync_copy(acc.at[pl.ds(r0, CHUNK)], g0)
                pltpu.sync_copy(g0, out_hbm.at[cid, pl.ds(r0, CHUNK)])
            if wrem:
                r0 = row_base + wchunks * CHUNK
                pltpu.sync_copy(acc.at[pl.ds(r0, wrem)], g0.at[pl.ds(0, wrem)])
                pltpu.sync_copy(g0.at[pl.ds(0, wrem)],
                                out_hbm.at[cid, pl.ds(r0, wrem)])

    return sc_kernel


def kernel(x, edge_index, W1, b1, W2, b2):
    n, d = x.shape
    e = edge_index.shape[1]
    assert d == D

    n_pad = ((n + 1 + NS * 8 - 1) // (NS * 8)) * (NS * 8)
    cpt_sum = (e + NS * CHUNK - 1) // (NS * CHUNK)
    cpt_sum = ((cpt_sum + 7) // 8) * 8
    cpt0 = min(max(int(round(cpt_sum * CORE0_FRAC / 8.0)) * 8, 0), cpt_sum)
    cpt1 = cpt_sum - cpt0
    rows = NS * cpt_sum + SR
    e_pad = rows * CHUNK

    row = edge_index[0].astype(jnp.int32)
    col = edge_index[1].astype(jnp.int32)
    pk = jnp.left_shift(row, 16) | col
    pk_p = jnp.concatenate(
        [pk, jnp.full((e_pad - e,), (n_pad - 1) << 16, jnp.int32)])
    pk2d = pk_p.reshape(rows, CHUNK)
    zeros = jnp.zeros((CHUNK, D), jnp.float32)

    b1r = b1.reshape(1, D)
    b2r = b2.reshape(1, D)

    h = _mlp1(x, W1, b1r, W2, b2r, blk=2000)
    parts = _make_sc_scatter(n_pad, cpt0, cpt1)(h, pk2d, zeros)
    return _mlp2(x, parts, W1, b1r, W2, b2r, blk=2000)

# --- scband reference (transcript-rebuilt; emitter-appended) ---
"""Pipeline reference for scband-ginlayer-79688823210541 (READ-ONLY COPY).

The authoritative reference and input builder live on the scoring server;
editing this copy changes nothing except your own understanding.
"""

import jax, jax.numpy as jnp
import numpy as np

N = 10000
E = 320000
D_IN = 128
D_OUT = 128


def setup_inputs(seed: int = 0) -> dict:
    key = jax.random.key(seed)
    k1, k2, k3, k4 = jax.random.split(key, 4)
    x = jax.random.normal(k1, (N, D_IN), dtype=jnp.float32)
    edge_index = jax.random.randint(k2, (2, E), 0, N).astype(jnp.int64)
    W1 = jax.random.normal(k3, (D_IN, D_OUT), dtype=jnp.float32) * 0.05
    b1 = jnp.zeros((D_OUT,), dtype=jnp.float32)
    W2 = jax.random.normal(k4, (D_OUT, D_OUT), dtype=jnp.float32) * 0.05
    b2 = jnp.zeros((D_OUT,), dtype=jnp.float32)
    return {"x": x, "edge_index": edge_index, "W1": W1, "b1": b1, "W2": W2, "b2": b2}


def reference(x, edge_index, W1, b1, W2, b2):
    def mlp(h):
        h = jnp.dot(h, W1) + b1
        h = jnp.maximum(h, 0.0)
        h = jnp.dot(h, W2) + b2
        return h

    row = edge_index[0]
    col = edge_index[1]
    # message: MLP applied to gathered source-node features
    msgs = mlp(jnp.take(x, col, axis=0))
    # scatter-add aggregation into destination nodes
    agg = jnp.zeros((N, D_OUT), dtype=x.dtype).at[row].add(msgs)
    # GIN update: MLP(x + aggregated)
    out = mlp(x + agg)
    return out

if __name__ == "__main__":
    import jax
    _d = setup_inputs()
    print(jax.jit(kernel)(*tuple(_d.values())))

</pallas_src>

<mosaic_0001>
#map = affine_map<(d0, d1) -> (0, 0)>
#map1 = affine_map<(d0, d1) -> (0, 0, 0)>
module attributes {stable_mosaic.version = 14 : i64} {
  func.func @sc_kernel(%arg0: i32, %arg1: i32, %arg2: memref<10000x128xf32, #tpu.memory_space<hbm>>, %arg3: memref<2688x128xi32, #tpu.memory_space<hbm>>, %arg4: memref<128x128xf32, #tpu.memory_space<hbm>>, %arg5: memref<2x10112x128xf32, #tpu.memory_space<hbm>>, %arg6: memref<128x128xi32, #tpu.memory_space<vmem>>, %arg7: memref<2x128xi32, #tpu.memory_space<vmem>>, %arg8: memref<2x128xi32, #tpu.memory_space<vmem>>, %arg9: memref<128x128xf32, #tpu.memory_space<vmem>>, %arg10: memref<128x128xf32, #tpu.memory_space<vmem>>, %arg11: memref<10112x128xf32, #tpu.memory_space<vmem_shared>>, %arg12: memref<!tpu.dma_semaphore, #tpu.memory_space<semaphore_mem>>, %arg13: memref<!tpu.dma_semaphore, #tpu.memory_space<semaphore_mem>>, %arg14: memref<!tpu.dma_semaphore, #tpu.memory_space<semaphore_mem>>, %arg15: memref<!tpu.dma_semaphore, #tpu.memory_space<semaphore_mem>>) attributes {dimension_semantics = [#tpu.dimension_semantics<core_parallel>, #tpu.dimension_semantics<subcore_parallel>], iteration_bounds = array<i64: 2, 16>, scalar_prefetch = 0 : i64, scratch_operands = 10 : i64, tpu.core_type = #tpu.core_type<sc_vector_subcore>, window_params = [{transform_indices = #map}, {transform_indices = #map}, {transform_indices = #map}, {transform_indices = #map1}]} {
    %mul3A = arith.constant 632 : i32
    %mul3A_0 = arith.muli %arg1, %mul3A : i32
    %eq3A = arith.constant 0 : i32
    %eq3A_1 = arith.cmpi eq, %arg0, %eq3A : i32
    %mul3A_2 = arith.constant 128 : i32
    %mul3A_3 = arith.muli %arg1, %mul3A_2 : i32
    %mul3A_4 = arith.constant 32 : i32
    %mul3A_5 = arith.muli %arg1, %mul3A_4 : i32
    %add3A = arith.constant 2048 : i32
    %add3A_6 = arith.addi %add3A, %mul3A_5 : i32
    %select_n3A = arith.select %eq3A_1, %mul3A_3, %add3A_6 : i32
    %eq3A_7 = arith.constant 0 : i32
    %eq3A_8 = arith.cmpi eq, %arg0, %eq3A_7 : i32
    %jit3A = arith.constant 128 : i32
    %jit3A_9 = arith.constant 32 : i32
    %select_n3A_10 = arith.select %eq3A_8, %jit3A, %jit3A_9 : i32
    "tpu.trace_start"() <{level = 10 : i32, message = "phase_init"}> : () -> ()
    "tpu.region"() ({
      %run_scoped3A = tpu.sem_alloc : memref<!tpu.dma_semaphore, #tpu.memory_space<semaphore_mem>>
      tpu.enqueue_dma source(%arg4 : memref<128x128xf32, #tpu.memory_space<hbm>>) target(%arg9 : memref<128x128xf32, #tpu.memory_space<vmem>>) target_semaphore(%run_scoped3A : memref<!tpu.dma_semaphore, #tpu.memory_space<semaphore_mem>>)
      tpu.wait_dma2 semaphore(%run_scoped3A : memref<!tpu.dma_semaphore, #tpu.memory_space<semaphore_mem>>) src(%arg4 : memref<128x128xf32, #tpu.memory_space<hbm>>) dst(%arg9 : memref<128x128xf32, #tpu.memory_space<vmem>>)
      tpu.yield
    }) : () -> ()
    %add3A_11 = arith.constant 0 : i32
    %add3A_12 = arith.addi %mul3A_0, %add3A_11 : i32
    "tpu.region"() ({
      %run_scoped3A = tpu.sem_alloc : memref<!tpu.dma_semaphore, #tpu.memory_space<semaphore_mem>>
      %dma_start3A = arith.constant 0 : i32
      %dma_start3A_56 = tpu.memref_slice %arg11[%add3A_12, %dma_start3A] : memref<10112x128xf32, #tpu.memory_space<vmem_shared>> -> memref<128x128xf32, #tpu.memory_space<vmem_shared>>
      %dma_start3A_57 = arith.constant 0 : i32
      %dma_start3A_58 = tpu.memref_slice %arg11[%add3A_12, %dma_start3A_57] : memref<10112x128xf32, #tpu.memory_space<vmem_shared>> -> memref<128x128xf32, #tpu.memory_space<vmem_shared>>
      tpu.enqueue_dma source(%arg9 : memref<128x128xf32, #tpu.memory_space<vmem>>) target(%dma_start3A_58 : memref<128x128xf32, #tpu.memory_space<vmem_shared>>) target_semaphore(%run_scoped3A : memref<!tpu.dma_semaphore, #tpu.memory_space<semaphore_mem>>)
      %dma_wait3A = arith.constant 0 : i32
      %dma_wait3A_59 = tpu.memref_slice %arg11[%add3A_12, %dma_wait3A] : memref<10112x128xf32, #tpu.memory_space<vmem_shared>> -> memref<128x128xf32, #tpu.memory_space<vmem_shared>>
      %dma_wait3A_60 = arith.constant 0 : i32
      %dma_wait3A_61 = tpu.memref_slice %arg11[%add3A_12, %dma_wait3A_60] : memref<10112x128xf32, #tpu.memory_space<vmem_shared>> -> memref<128x128xf32, #tpu.memory_space<vmem_shared>>
      tpu.wait_dma2 semaphore(%run_scoped3A : memref<!tpu.dma_semaphore, #tpu.memory_space<semaphore_mem>>) src(%arg9 : memref<128x128xf32, #tpu.memory_space<vmem>>) dst(%dma_wait3A_61 : memref<128x128xf32, #tpu.memory_space<vmem_shared>>)
      tpu.yield
    }) : () -> ()
    %add3A_13 = arith.constant 128 : i32
    %add3A_14 = arith.addi %mul3A_0, %add3A_13 : i32
    "tpu.region"() ({
      %run_scoped3A = tpu.sem_alloc : memref<!tpu.dma_semaphore, #tpu.memory_space<semaphore_mem>>
      %dma_start3A = arith.constant 0 : i32
      %dma_start3A_56 = tpu.memref_slice %arg11[%add3A_14, %dma_start3A] : memref<10112x128xf32, #tpu.memory_space<vmem_shared>> -> memref<128x128xf32, #tpu.memory_space<vmem_shared>>
      %dma_start3A_57 = arith.constant 0 : i32
      %dma_start3A_58 = tpu.memref_slice %arg11[%add3A_14, %dma_start3A_57] : memref<10112x128xf32, #tpu.memory_space<vmem_shared>> -> memref<128x128xf32, #tpu.memory_space<vmem_shared>>
      tpu.enqueue_dma source(%arg9 : memref<128x128xf32, #tpu.memory_space<vmem>>) target(%dma_start3A_58 : memref<128x128xf32, #tpu.memory_space<vmem_shared>>) target_semaphore(%run_scoped3A : memref<!tpu.dma_semaphore, #tpu.memory_space<semaphore_mem>>)
      %dma_wait3A = arith.constant 0 : i32
      %dma_wait3A_59 = tpu.memref_slice %arg11[%add3A_14, %dma_wait3A] : memref<10112x128xf32, #tpu.memory_space<vmem_shared>> -> memref<128x128xf32, #tpu.memory_space<vmem_shared>>
      %dma_wait3A_60 = arith.constant 0 : i32
      %dma_wait3A_61 = tpu.memref_slice %arg11[%add3A_14, %dma_wait3A_60] : memref<10112x128xf32, #tpu.memory_space<vmem_shared>> -> memref<128x128xf32, #tpu.memory_space<vmem_shared>>
      tpu.wait_dma2 semaphore(%run_scoped3A : memref<!tpu.dma_semaphore, #tpu.memory_space<semaphore_mem>>) src(%arg9 : memref<128x128xf32, #tpu.memory_space<vmem>>) dst(%dma_wait3A_61 : memref<128x128xf32, #tpu.memory_space<vmem_shared>>)
      tpu.yield
    }) : () -> ()
    %add3A_15 = arith.constant 256 : i32
    %add3A_16 = arith.addi %mul3A_0, %add3A_15 : i32
    "tpu.region"() ({
      %run_scoped3A = tpu.sem_alloc : memref<!tpu.dma_semaphore, #tpu.memory_space<semaphore_mem>>
      %dma_start3A = arith.constant 0 : i32
      %dma_start3A_56 = tpu.memref_slice %arg11[%add3A_16, %dma_start3A] : memref<10112x128xf32, #tpu.memory_space<vmem_shared>> -> memref<128x128xf32, #tpu.memory_space<vmem_shared>>
      %dma_start3A_57 = arith.constant 0 : i32
      %dma_start3A_58 = tpu.memref_slice %arg11[%add3A_16, %dma_start3A_57] : memref<10112x128xf32, #tpu.memory_space<vmem_shared>> -> memref<128x128xf32, #tpu.memory_space<vmem_shared>>
      tpu.enqueue_dma source(%arg9 : memref<128x128xf32, #tpu.memory_space<vmem>>) target(%dma_start3A_58 : memref<128x128xf32, #tpu.memory_space<vmem_shared>>) target_semaphore(%run_scoped3A : memref<!tpu.dma_semaphore, #tpu.memory_space<semaphore_mem>>)
      %dma_wait3A = arith.constant 0 : i32
      %dma_wait3A_59 = tpu.memref_slice %arg11[%add3A_16, %dma_wait3A] : memref<10112x128xf32, #tpu.memory_space<vmem_shared>> -> memref<128x128xf32, #tpu.memory_space<vmem_shared>>
      %dma_wait3A_60 = arith.constant 0 : i32
      %dma_wait3A_61 = tpu.memref_slice %arg11[%add3A_16, %dma_wait3A_60] : memref<10112x128xf32, #tpu.memory_space<vmem_shared>> -> memref<128x128xf32, #tpu.memory_space<vmem_shared>>
      tpu.wait_dma2 semaphore(%run_scoped3A : memref<!tpu.dma_semaphore, #tpu.memory_space<semaphore_mem>>) src(%arg9 : memref<128x128xf32, #tpu.memory_space<vmem>>) dst(%dma_wait3A_61 : memref<128x128xf32, #tpu.memory_space<vmem_shared>>)
      tpu.yield
    }) : () -> ()
    %add3A_17 = arith.constant 384 : i32
    %add3A_18 = arith.addi %mul3A_0, %add3A_17 : i32
    "tpu.region"() ({
      %run_scoped3A = tpu.sem_alloc : memref<!tpu.dma_semaphore, #tpu.memory_space<semaphore_mem>>
      %dma_start3A = arith.constant 0 : i32
      %dma_start3A_56 = tpu.memref_slice %arg11[%add3A_18, %dma_start3A] : memref<10112x128xf32, #tpu.memory_space<vmem_shared>> -> memref<128x128xf32, #tpu.memory_space<vmem_shared>>
      %dma_start3A_57 = arith.constant 0 : i32
      %dma_start3A_58 = tpu.memref_slice %arg11[%add3A_18, %dma_start3A_57] : memref<10112x128xf32, #tpu.memory_space<vmem_shared>> -> memref<128x128xf32, #tpu.memory_space<vmem_shared>>
      tpu.enqueue_dma source(%arg9 : memref<128x128xf32, #tpu.memory_space<vmem>>) target(%dma_start3A_58 : memref<128x128xf32, #tpu.memory_space<vmem_shared>>) target_semaphore(%run_scoped3A : memref<!tpu.dma_semaphore, #tpu.memory_space<semaphore_mem>>)
      %dma_wait3A = arith.constant 0 : i32
      %dma_wait3A_59 = tpu.memref_slice %arg11[%add3A_18, %dma_wait3A] : memref<10112x128xf32, #tpu.memory_space<vmem_shared>> -> memref<128x128xf32, #tpu.memory_space<vmem_shared>>
      %dma_wait3A_60 = arith.constant 0 : i32
      %dma_wait3A_61 = tpu.memref_slice %arg11[%add3A_18, %dma_wait3A_60] : memref<10112x128xf32, #tpu.memory_space<vmem_shared>> -> memref<128x128xf32, #tpu.memory_space<vmem_shared>>
      tpu.wait_dma2 semaphore(%run_scoped3A : memref<!tpu.dma_semaphore, #tpu.memory_space<semaphore_mem>>) src(%arg9 : memref<128x128xf32, #tpu.memory_space<vmem>>) dst(%dma_wait3A_61 : memref<128x128xf32, #tpu.memory_space<vmem_shared>>)
      tpu.yield
    }) : () -> ()
    %add3A_19 = arith.constant 512 : i32
    %add3A_20 = arith.addi %mul3A_0, %add3A_19 : i32
    "tpu.region"() ({
      %run_scoped3A = tpu.sem_alloc : memref<!tpu.dma_semaphore, #tpu.memory_space<semaphore_mem>>
      %dma_start3A = arith.constant 0 : i32
      %dma_start3A_56 = arith.constant 0 : i32
      %dma_start3A_57 = tpu.memref_slice %arg9[%dma_start3A, %dma_start3A_56] : memref<128x128xf32, #tpu.memory_space<vmem>> -> memref<120x128xf32, #tpu.memory_space<vmem>>
      %dma_start3A_58 = arith.constant 0 : i32
      %dma_start3A_59 = tpu.memref_slice %arg11[%add3A_20, %dma_start3A_58] : memref<10112x128xf32, #tpu.memory_space<vmem_shared>> -> memref<120x128xf32, #tpu.memory_space<vmem_shared>>
      %dma_start3A_60 = arith.constant 0 : i32
      %dma_start3A_61 = tpu.memref_slice %arg11[%add3A_20, %dma_start3A_60] : memref<10112x128xf32, #tpu.memory_space<vmem_shared>> -> memref<120x128xf32, #tpu.memory_space<vmem_shared>>
      %dma_start3A_62 = arith.constant 0 : i32
      %dma_start3A_63 = arith.constant 0 : i32
      %dma_start3A_64 = tpu.memref_slice %arg9[%dma_start3A_62, %dma_start3A_63] : memref<128x128xf32, #tpu.memory_space<vmem>> -> memref<120x128xf32, #tpu.memory_space<vmem>>
      tpu.enqueue_dma source(%dma_start3A_64 : memref<120x128xf32, #tpu.memory_space<vmem>>) target(%dma_start3A_61 : memref<120x128xf32, #tpu.memory_space<vmem_shared>>) target_semaphore(%run_scoped3A : memref<!tpu.dma_semaphore, #tpu.memory_space<semaphore_mem>>)
      %dma_wait3A = arith.constant 0 : i32
      %dma_wait3A_65 = arith.constant 0 : i32
      %dma_wait3A_66 = tpu.memref_slice %arg9[%dma_wait3A, %dma_wait3A_65] : memref<128x128xf32, #tpu.memory_space<vmem>> -> memref<120x128xf32, #tpu.memory_space<vmem>>
      %dma_wait3A_67 = arith.constant 0 : i32
      %dma_wait3A_68 = tpu.memref_slice %arg11[%add3A_20, %dma_wait3A_67] : memref<10112x128xf32, #tpu.memory_space<vmem_shared>> -> memref<120x128xf32, #tpu.memory_space<vmem_shared>>
      %dma_wait3A_69 = arith.constant 0 : i32
      %dma_wait3A_70 = tpu.memref_slice %arg11[%add3A_20, %dma_wait3A_69] : memref<10112x128xf32, #tpu.memory_space<vmem_shared>> -> memref<120x128xf32, #tpu.memory_space<vmem_shared>>
      %dma_wait3A_71 = arith.constant 0 : i32
      %dma_wait3A_72 = arith.constant 0 : i32
      %dma_wait3A_73 = tpu.memref_slice %arg9[%dma_wait3A_71, %dma_wait3A_72] : memref<128x128xf32, #tpu.memory_space<vmem>> -> memref<120x128xf32, #tpu.memory_space<vmem>>
      tpu.wait_dma2 semaphore(%run_scoped3A : memref<!tpu.dma_semaphore, #tpu.memory_space<semaphore_mem>>) src(%dma_wait3A_73 : memref<120x128xf32, #tpu.memory_space<vmem>>) dst(%dma_wait3A_70 : memref<120x128xf32, #tpu.memory_space<vmem_shared>>)
      tpu.yield
    }) : () -> ()
    %barrier3A = arith.constant 0 : index
    tpu.barrier barrier_id(%barrier3A)
    "tpu.trace_stop"() : () -> ()
    "tpu.trace_start"() <{level = 10 : i32, message = "phase_main"}> : () -> ()
    %sub3A = arith.constant 0 : i32
    %sub3A_21 = arith.subi %select_n3A_10, %sub3A : i32
    %jit3A_22 = arith.constant 0 : i32
    %jit3A_23 = arith.constant 128 : i32
    %max3A = arith.maxsi %jit3A_22, %sub3A_21 : i32
    %min3A = arith.minsi %jit3A_23, %max3A : i32
    %jit3A_24 = arith.constant 2 : i32
    %div3A = arith.divsi %min3A, %jit3A_24 : i32
    %sign3A = arith.constant 0 : i32
    %sign3A_25 = arith.cmpi sgt, %min3A, %sign3A : i32
    %sign3A_26 = arith.extui %sign3A_25 : i1 to i32
    %sign3A_27 = arith.constant 0 : i32
    %sign3A_28 = arith.cmpi slt, %min3A, %sign3A_27 : i32
    %sign3A_29 = arith.extui %sign3A_28 : i1 to i32
    %sign3A_30 = arith.subi %sign3A_26, %sign3A_29 : i32
    %sign3A_31 = arith.constant 0 : i32
    %sign3A_32 = arith.cmpi sgt, %jit3A_24, %sign3A_31 : i32
    %sign3A_33 = arith.extui %sign3A_32 : i1 to i32
    %sign3A_34 = arith.constant 0 : i32
    %sign3A_35 = arith.cmpi slt, %jit3A_24, %sign3A_34 : i32
    %sign3A_36 = arith.extui %sign3A_35 : i1 to i32
    %sign3A_37 = arith.subi %sign3A_33, %sign3A_36 : i32
    %ne3A = arith.cmpi ne, %sign3A_30, %sign3A_37 : i32
    %rem3A = arith.remsi %min3A, %jit3A_24 : i32
    %ne3A_38 = arith.constant 0 : i32
    %ne3A_39 = arith.cmpi ne, %rem3A, %ne3A_38 : i32
    %and3A = arith.andi %ne3A, %ne3A_39 : i1
    %sub3A_40 = arith.constant 1 : i32
    %sub3A_41 = arith.subi %div3A, %sub3A_40 : i32
    %select_n3A_42 = arith.select %and3A, %sub3A_41, %div3A : i32
    %gt3A = arith.constant 0 : i32
    %gt3A_43 = arith.cmpi sgt, %select_n3A_42, %gt3A : i32
    %convert_element_type3A = arith.extui %gt3A_43 : i1 to i32
    %cond3A = arith.constant 0 : i32
    %cond3A_44 = arith.cmpi ne, %convert_element_type3A, %cond3A : i32
    scf.if %cond3A_44 {
      %add3A_56 = arith.constant 0 : i32
      %add3A_57 = arith.addi %select_n3A, %add3A_56 : i32
      "tpu.region"() ({
        %run_scoped3A = tpu.sem_alloc : memref<!tpu.dma_semaphore, #tpu.memory_space<semaphore_mem>>
        %dma_start3A_260 = arith.constant 0 : i32
        %dma_start3A_261 = tpu.memref_slice %arg3[%add3A_57, %dma_start3A_260] : memref<2688x128xi32, #tpu.memory_space<hbm>> -> memref<128x128xi32, #tpu.memory_space<hbm>>
        %dma_start3A_262 = arith.constant 0 : i32
        %dma_start3A_263 = tpu.memref_slice %arg3[%add3A_57, %dma_start3A_262] : memref<2688x128xi32, #tpu.memory_space<hbm>> -> memref<128x128xi32, #tpu.memory_space<hbm>>
        tpu.enqueue_dma source(%dma_start3A_263 : memref<128x128xi32, #tpu.memory_space<hbm>>) target(%arg6 : memref<128x128xi32, #tpu.memory_space<vmem>>) target_semaphore(%run_scoped3A : memref<!tpu.dma_semaphore, #tpu.memory_space<semaphore_mem>>)
        %dma_wait3A_264 = arith.constant 0 : i32
        %dma_wait3A_265 = tpu.memref_slice %arg3[%add3A_57, %dma_wait3A_264] : memref<2688x128xi32, #tpu.memory_space<hbm>> -> memref<128x128xi32, #tpu.memory_space<hbm>>
        %dma_wait3A_266 = arith.constant 0 : i32
        %dma_wait3A_267 = tpu.memref_slice %arg3[%add3A_57, %dma_wait3A_266] : memref<2688x128xi32, #tpu.memory_space<hbm>> -> memref<128x128xi32, #tpu.memory_space<hbm>>
        tpu.wait_dma2 semaphore(%run_scoped3A : memref<!tpu.dma_semaphore, #tpu.memory_space<semaphore_mem>>) src(%dma_wait3A_267 : memref<128x128xi32, #tpu.memory_space<hbm>>) dst(%arg6 : memref<128x128xi32, #tpu.memory_space<vmem>>)
        tpu.yield
      }) : () -> ()
      %get3A = arith.constant 0 : i32
      %get3A_58 = arith.index_cast %get3A : i32 to index
      %get3A_59 = arith.constant 0 : index
      %get3A_60 = tpu.vector_load %arg6[%get3A_58, %get3A_59] {strides = array<i32>} : memref<128x128xi32, #tpu.memory_space<vmem>>, vector<1x16xi32>,
      %get3A_61 = vector.shape_cast %get3A_60 : vector<1x16xi32> to vector<16xi32>
      %and3A_62 = arith.constant 65535 : i32
      %and3A_63 = vector.broadcast %and3A_62 : i32 to vector<16xi32>
      %and3A_64 = arith.andi %get3A_61, %and3A_63 : vector<16xi32>
      %swap3A = arith.constant 0 : i32
      %swap3A_65 = arith.index_cast %swap3A : i32 to index
      %swap3A_66 = arith.constant 0 : index
      %swap3A_67 = tpu.vector_load %arg7[%swap3A_65, %swap3A_66] {strides = array<i32>} : memref<2x128xi32, #tpu.memory_space<vmem>>, vector<1x16xi32>,
      %swap3A_68 = vector.shape_cast %swap3A_67 : vector<1x16xi32> to vector<16xi32>
      %swap3A_69 = vector.shape_cast %and3A_64 : vector<16xi32> to vector<1x16xi32>
      tpu.vector_store %arg7[%swap3A_65, %swap3A_66], %swap3A_69 {strides = array<i32>} : memref<2x128xi32, #tpu.memory_space<vmem>>, vector<1x16xi32>,
      %shift_right_logical3A = arith.constant 16 : i32
      %shift_right_logical3A_70 = vector.broadcast %shift_right_logical3A : i32 to vector<16xi32>
      %shift_right_logical3A_71 = arith.shrui %get3A_61, %shift_right_logical3A_70 : vector<16xi32>
      %swap3A_72 = arith.constant 0 : i32
      %swap3A_73 = arith.index_cast %swap3A_72 : i32 to index
      %swap3A_74 = arith.constant 0 : index
      %swap3A_75 = tpu.vector_load %arg8[%swap3A_73, %swap3A_74] {strides = array<i32>} : memref<2x128xi32, #tpu.memory_space<vmem>>, vector<1x16xi32>,
      %swap3A_76 = vector.shape_cast %swap3A_75 : vector<1x16xi32> to vector<16xi32>
      %swap3A_77 = vector.shape_cast %shift_right_logical3A_71 : vector<16xi32> to vector<1x16xi32>
      tpu.vector_store %arg8[%swap3A_73, %swap3A_74], %swap3A_77 {strides = array<i32>} : memref<2x128xi32, #tpu.memory_space<vmem>>, vector<1x16xi32>,
      %get3A_78 = arith.constant 0 : i32
      %get3A_79 = arith.index_cast %get3A_78 : i32 to index
      %get3A_80 = arith.constant 16 : index
      %get3A_81 = tpu.vector_load %arg6[%get3A_79, %get3A_80] {strides = array<i32>} : memref<128x128xi32, #tpu.memory_space<vmem>>, vector<1x16xi32>,
      %get3A_82 = vector.shape_cast %get3A_81 : vector<1x16xi32> to vector<16xi32>
      %and3A_83 = arith.constant 65535 : i32
      %and3A_84 = vector.broadcast %and3A_83 : i32 to vector<16xi32>
      %and3A_85 = arith.andi %get3A_82, %and3A_84 : vector<16xi32>
      %swap3A_86 = arith.constant 0 : i32
      %swap3A_87 = arith.index_cast %swap3A_86 : i32 to index
      %swap3A_88 = arith.constant 16 : index
      %swap3A_89 = tpu.vector_load %arg7[%swap3A_87, %swap3A_88] {strides = array<i32>} : memref<2x128xi32, #tpu.memory_space<vmem>>, vector<1x16xi32>,
      %swap3A_90 = vector.shape_cast %swap3A_89 : vector<1x16xi32> to vector<16xi32>
      %swap3A_91 = vector.shape_cast %and3A_85 : vector<16xi32> to vector<1x16xi32>
      tpu.vector_store %arg7[%swap3A_87, %swap3A_88], %swap3A_91 {strides = array<i32>} : memref<2x128xi32, #tpu.memory_space<vmem>>, vector<1x16xi32>,
      %shift_right_logical3A_92 = arith.constant 16 : i32
      %shift_right_logical3A_93 = vector.broadcast %shift_right_logical3A_92 : i32 to vector<16xi32>
      %shift_right_logical3A_94 = arith.shrui %get3A_82, %shift_right_logical3A_93 : vector<16xi32>
      %swap3A_95 = arith.constant 0 : i32
      %swap3A_96 = arith.index_cast %swap3A_95 : i32 to index
      %swap3A_97 = arith.constant 16 : index
      %swap3A_98 = tpu.vector_load %arg8[%swap3A_96, %swap3A_97] {strides = array<i32>} : memref<2x128xi32, #tpu.memory_space<vmem>>, vector<1x16xi32>,
      %swap3A_99 = vector.shape_cast %swap3A_98 : vector<1x16xi32> to vector<16xi32>
      %swap3A_100 = vector.shape_cast %shift_right_logical3A_94 : vector<16xi32> to vector<1x16xi32>
      tpu.vector_store %arg8[%swap3A_96, %swap3A_97], %swap3A_100 {strides = array<i32>} : memref<2x128xi32, #tpu.memory_space<vmem>>, vector<1x16xi32>,
      %get3A_101 = arith.constant 0 : i32
      %get3A_102 = arith.index_cast %get3A_101 : i32 to index
      %get3A_103 = arith.constant 32 : index
      %get3A_104 = tpu.vector_load %arg6[%get3A_102, %get3A_103] {strides = array<i32>} : memref<128x128xi32, #tpu.memory_space<vmem>>, vector<1x16xi32>,
      %get3A_105 = vector.shape_cast %get3A_104 : vector<1x16xi32> to vector<16xi32>
      %and3A_106 = arith.constant 65535 : i32
      %and3A_107 = vector.broadcast %and3A_106 : i32 to vector<16xi32>
      %and3A_108 = arith.andi %get3A_105, %and3A_107 : vector<16xi32>
      %swap3A_109 = arith.constant 0 : i32
      %swap3A_110 = arith.index_cast %swap3A_109 : i32 to index
      %swap3A_111 = arith.constant 32 : index
      %swap3A_112 = tpu.vector_load %arg7[%swap3A_110, %swap3A_111] {strides = array<i32>} : memref<2x128xi32, #tpu.memory_space<vmem>>, vector<1x16xi32>,
      %swap3A_113 = vector.shape_cast %swap3A_112 : vector<1x16xi32> to vector<16xi32>
      %swap3A_114 = vector.shape_cast %and3A_108 : vector<16xi32> to vector<1x16xi32>
      tpu.vector_store %arg7[%swap3A_110, %swap3A_111], %swap3A_114 {strides = array<i32>} : memref<2x128xi32, #tpu.memory_space<vmem>>, vector<1x16xi32>,
      %shift_right_logical3A_115 = arith.constant 16 : i32
      %shift_right_logical3A_116 = vector.broadcast %shift_right_logical3A_115 : i32 to vector<16xi32>
      %shift_right_logical3A_117 = arith.shrui %get3A_105, %shift_right_logical3A_116 : vector<16xi32>
      %swap3A_118 = arith.constant 0 : i32
      %swap3A_119 = arith.index_cast %swap3A_118 : i32 to index
      %swap3A_120 = arith.constant 32 : index
      %swap3A_121 = tpu.vector_load %arg8[%swap3A_119, %swap3A_120] {strides = array<i32>} : memref<2x128xi32, #tpu.memory_space<vmem>>, vector<1x16xi32>,
      %swap3A_122 = vector.shape_cast %swap3A_121 : vector<1x16xi32> to vector<16xi32>
      %swap3A_123 = vector.shape_cast %shift_right_logical3A_117 : vector<16xi32> to vector<1x16xi32>
      tpu.vector_store %arg8[%swap3A_119, %swap3A_120], %swap3A_123 {strides = array<i32>} : memref<2x128xi32, #tpu.memory_space<vmem>>, vector<1x16xi32>,
      %get3A_124 = arith.constant 0 : i32
      %get3A_125 = arith.index_cast %get3A_124 : i32 to index
      %get3A_126 = arith.constant 48 : index
      %get3A_127 = tpu.vector_load %arg6[%get3A_125, %get3A_126] {strides = array<i32>} : memref<128x128xi32, #tpu.memory_space<vmem>>, vector<1x16xi32>,
      %get3A_128 = vector.shape_cast %get3A_127 : vector<1x16xi32> to vector<16xi32>
      %and3A_129 = arith.constant 65535 : i32
      %and3A_130 = vector.broadcast %and3A_129 : i32 to vector<16xi32>
      %and3A_131 = arith.andi %get3A_128, %and3A_130 : vector<16xi32>
      %swap3A_132 = arith.constant 0 : i32
      %swap3A_133 = arith.index_cast %swap3A_132 : i32 to index
      %swap3A_134 = arith.constant 48 : index
      %swap3A_135 = tpu.vector_load %arg7[%swap3A_133, %swap3A_134] {strides = array<i32>} : memref<2x128xi32, #tpu.memory_space<vmem>>, vector<1x16xi32>,
      %swap3A_136 = vector.shape_cast %swap3A_135 : vector<1x16xi32> to vector<16xi32>
      %swap3A_137 = vector.shape_cast %and3A_131 : vector<16xi32> to vector<1x16xi32>
      tpu.vector_store %arg7[%swap3A_133, %swap3A_134], %swap3A_137 {strides = array<i32>} : memref<2x128xi32, #tpu.memory_space<vmem>>, vector<1x16xi32>,
      %shift_right_logical3A_138 = arith.constant 16 : i32
      %shift_right_logical3A_139 = vector.broadcast %shift_right_logical3A_138 : i32 to vector<16xi32>
      %shift_right_logical3A_140 = arith.shrui %get3A_128, %shift_right_logical3A_139 : vector<16xi32>
      %swap3A_141 = arith.constant 0 : i32
      %swap3A_142 = arith.index_cast %swap3A_141 : i32 to index
      %swap3A_143 = arith.constant 48 : index
      %swap3A_144 = tpu.vector_load %arg8[%swap3A_142, %swap3A_143] {strides = array<i32>} : memref<2x128xi32, #tpu.memory_space<vmem>>, vector<1x16xi32>,
      %swap3A_145 = vector.shape_cast %swap3A_144 : vector<1x16xi32> to vector<16xi32>
      %swap3A_146 = vector.shape_cast %shift_right_logical3A_140 : vector<16xi32> to vector<1x16xi32>
      tpu.vector_store %arg8[%swap3A_142, %swap3A_143], %swap3A_146 {strides = array<i32>} : memref<2x128xi32, #tpu.memory_space<vmem>>, vector<1x16xi32>,
      %get3A_147 = arith.constant 0 : i32
      %get3A_148 = arith.index_cast %get3A_147 : i32 to index
      %get3A_149 = arith.constant 64 : index
      %get3A_150 = tpu.vector_load %arg6[%get3A_148, %get3A_149] {strides = array<i32>} : memref<128x128xi32, #tpu.memory_space<vmem>>, vector<1x16xi32>,
      %get3A_151 = vector.shape_cast %get3A_150 : vector<1x16xi32> to vector<16xi32>
      %and3A_152 = arith.constant 65535 : i32
      %and3A_153 = vector.broadcast %and3A_152 : i32 to vector<16xi32>
      %and3A_154 = arith.andi %get3A_151, %and3A_153 : vector<16xi32>
      %swap3A_155 = arith.constant 0 : i32
      %swap3A_156 = arith.index_cast %swap3A_155 : i32 to index
      %swap3A_157 = arith.constant 64 : index
      %swap3A_158 = tpu.vector_load %arg7[%swap3A_156, %swap3A_157] {strides = array<i32>} : memref<2x128xi32, #tpu.memory_space<vmem>>, vector<1x16xi32>,
      %swap3A_159 = vector.shape_cast %swap3A_158 : vector<1x16xi32> to vector<16xi32>
      %swap3A_160 = vector.shape_cast %and3A_154 : vector<16xi32> to vector<1x16xi32>
      tpu.vector_store %arg7[%swap3A_156, %swap3A_157], %swap3A_160 {strides = array<i32>} : memref<2x128xi32, #tpu.memory_space<vmem>>, vector<1x16xi32>,
      %shift_right_logical3A_161 = arith.constant 16 : i32
      %shift_right_logical3A_162 = vector.broadcast %shift_right_logical3A_161 : i32 to vector<16xi32>
      %shift_right_logical3A_163 = arith.shrui %get3A_151, %shift_right_logical3A_162 : vector<16xi32>
      %swap3A_164 = arith.constant 0 : i32
      %swap3A_165 = arith.index_cast %swap3A_164 : i32 to index
      %swap3A_166 = arith.constant 64 : index
      %swap3A_167 = tpu.vector_load %arg8[%swap3A_165, %swap3A_166] {strides = array<i32>} : memref<2x128xi32, #tpu.memory_space<vmem>>, vector<1x16xi32>,
      %swap3A_168 = vector.shape_cast %swap3A_167 : vector<1x16xi32> to vector<16xi32>
      %swap3A_169 = vector.shape_cast %shift_right_logical3A_163 : vector<16xi32> to vector<1x16xi32>
      tpu.vector_store %arg8[%swap3A_165, %swap3A_166], %swap3A_169 {strides = array<i32>} : memref<2x128xi32, #tpu.memory_space<vmem>>, vector<1x16xi32>,
      %get3A_170 = arith.constant 0 : i32
      %get3A_171 = arith.index_cast %get3A_170 : i32 to index
      %get3A_172 = arith.constant 80 : index
      %get3A_173 = tpu.vector_load %arg6[%get3A_171, %get3A_172] {strides = array<i32>} : memref<128x128xi32, #tpu.memory_space<vmem>>, vector<1x16xi32>,
      %get3A_174 = vector.shape_cast %get3A_173 : vector<1x16xi32> to vector<16xi32>
      %and3A_175 = arith.constant 65535 : i32
      %and3A_176 = vector.broadcast %and3A_175 : i32 to vector<16xi32>
      %and3A_177 = arith.andi %get3A_174, %and3A_176 : vector<16xi32>
      %swap3A_178 = arith.constant 0 : i32
      %swap3A_179 = arith.index_cast %swap3A_178 : i32 to index
      %swap3A_180 = arith.constant 80 : index
      %swap3A_181 = tpu.vector_load %arg7[%swap3A_179, %swap3A_180] {strides = array<i32>} : memref<2x128xi32, #tpu.memory_space<vmem>>, vector<1x16xi32>,
      %swap3A_182 = vector.shape_cast %swap3A_181 : vector<1x16xi32> to vector<16xi32>
      %swap3A_183 = vector.shape_cast %and3A_177 : vector<16xi32> to vector<1x16xi32>
      tpu.vector_store %arg7[%swap3A_179, %swap3A_180], %swap3A_183 {strides = array<i32>} : memref<2x128xi32, #tpu.memory_space<vmem>>, vector<1x16xi32>,
      %shift_right_logical3A_184 = arith.constant 16 : i32
      %shift_right_logical3A_185 = vector.broadcast %shift_right_logical3A_184 : i32 to vector<16xi32>
      %shift_right_logical3A_186 = arith.shrui %get3A_174, %shift_right_logical3A_185 : vector<16xi32>
      %swap3A_187 = arith.constant 0 : i32
      %swap3A_188 = arith.index_cast %swap3A_187 : i32 to index
      %swap3A_189 = arith.constant 80 : index
      %swap3A_190 = tpu.vector_load %arg8[%swap3A_188, %swap3A_189] {strides = array<i32>} : memref<2x128xi32, #tpu.memory_space<vmem>>, vector<1x16xi32>,
      %swap3A_191 = vector.shape_cast %swap3A_190 : vector<1x16xi32> to vector<16xi32>
      %swap3A_192 = vector.shape_cast %shift_right_logical3A_186 : vector<16xi32> to vector<1x16xi32>
      tpu.vector_store %arg8[%swap3A_188, %swap3A_189], %swap3A_192 {strides = array<i32>} : memref<2x128xi32, #tpu.memory_space<vmem>>, vector<1x16xi32>,
      %get3A_193 = arith.constant 0 : i32
      %get3A_194 = arith.index_cast %get3A_193 : i32 to index
      %get3A_195 = arith.constant 96 : index
      %get3A_196 = tpu.vector_load %arg6[%get3A_194, %get3A_195] {strides = array<i32>} : memref<128x128xi32, #tpu.memory_space<vmem>>, vector<1x16xi32>,
      %get3A_197 = vector.shape_cast %get3A_196 : vector<1x16xi32> to vector<16xi32>
      %and3A_198 = arith.constant 65535 : i32
      %and3A_199 = vector.broadcast %and3A_198 : i32 to vector<16xi32>
      %and3A_200 = arith.andi %get3A_197, %and3A_199 : vector<16xi32>
      %swap3A_201 = arith.constant 0 : i32
      %swap3A_202 = arith.index_cast %swap3A_201 : i32 to index
      %swap3A_203 = arith.constant 96 : index
      %swap3A_204 = tpu.vector_load %arg7[%swap3A_202, %swap3A_203] {strides = array<i32>} : memref<2x128xi32, #tpu.memory_space<vmem>>, vector<1x16xi32>,
      %swap3A_205 = vector.shape_cast %swap3A_204 : vector<1x16xi32> to vector<16xi32>
      %swap3A_206 = vector.shape_cast %and3A_200 : vector<16xi32> to vector<1x16xi32>
      tpu.vector_store %arg7[%swap3A_202, %swap3A_203], %swap3A_206 {strides = array<i32>} : memref<2x128xi32, #tpu.memory_space<vmem>>, vector<1x16xi32>,
      %shift_right_logical3A_207 = arith.constant 16 : i32
      %shift_right_logical3A_208 = vector.broadcast %shift_right_logical3A_207 : i32 to vector<16xi32>
      %shift_right_logical3A_209 = arith.shrui %get3A_197, %shift_right_logical3A_208 : vector<16xi32>
      %swap3A_210 = arith.constant 0 : i32
      %swap3A_211 = arith.index_cast %swap3A_210 : i32 to index
      %swap3A_212 = arith.constant 96 : index
      %swap3A_213 = tpu.vector_load %arg8[%swap3A_211, %swap3A_212] {strides = array<i32>} : memref<2x128xi32, #tpu.memory_space<vmem>>, vector<1x16xi32>,
      %swap3A_214 = vector.shape_cast %swap3A_213 : vector<1x16xi32> to vector<16xi32>
      %swap3A_215 = vector.shape_cast %shift_right_logical3A_209 : vector<16xi32> to vector<1x16xi32>
      tpu.vector_store %arg8[%swap3A_211, %swap3A_212], %swap3A_215 {strides = array<i32>} : memref<2x128xi32, #tpu.memory_space<vmem>>, vector<1x16xi32>,
      %get3A_216 = arith.constant 0 : i32
      %get3A_217 = arith.index_cast %get3A_216 : i32 to index
      %get3A_218 = arith.constant 112 : index
      %get3A_219 = tpu.vector_load %arg6[%get3A_217, %get3A_218] {strides = array<i32>} : memref<128x128xi32, #tpu.memory_space<vmem>>, vector<1x16xi32>,
      %get3A_220 = vector.shape_cast %get3A_219 : vector<1x16xi32> to vector<16xi32>
      %and3A_221 = arith.constant 65535 : i32
      %and3A_222 = vector.broadcast %and3A_221 : i32 to vector<16xi32>
      %and3A_223 = arith.andi %get3A_220, %and3A_222 : vector<16xi32>
      %swap3A_224 = arith.constant 0 : i32
      %swap3A_225 = arith.index_cast %swap3A_224 : i32 to index
      %swap3A_226 = arith.constant 112 : index
      %swap3A_227 = tpu.vector_load %arg7[%swap3A_225, %swap3A_226] {strides = array<i32>} : memref<2x128xi32, #tpu.memory_space<vmem>>, vector<1x16xi32>,
      %swap3A_228 = vector.shape_cast %swap3A_227 : vector<1x16xi32> to vector<16xi32>
      %swap3A_229 = vector.shape_cast %and3A_223 : vector<16xi32> to vector<1x16xi32>
      tpu.vector_store %arg7[%swap3A_225, %swap3A_226], %swap3A_229 {strides = array<i32>} : memref<2x128xi32, #tpu.memory_space<vmem>>, vector<1x16xi32>,
      %shift_right_logical3A_230 = arith.constant 16 : i32
      %shift_right_logical3A_231 = vector.broadcast %shift_right_logical3A_230 : i32 to vector<16xi32>
      %shift_right_logical3A_232 = arith.shrui %get3A_220, %shift_right_logical3A_231 : vector<16xi32>
      %swap3A_233 = arith.constant 0 : i32
      %swap3A_234 = arith.index_cast %swap3A_233 : i32 to index
      %swap3A_235 = arith.constant 112 : index
      %swap3A_236 = tpu.vector_load %arg8[%swap3A_234, %swap3A_235] {strides = array<i32>} : memref<2x128xi32, #tpu.memory_space<vmem>>, vector<1x16xi32>,
      %swap3A_237 = vector.shape_cast %swap3A_236 : vector<1x16xi32> to vector<16xi32>
      %swap3A_238 = vector.shape_cast %shift_right_logical3A_232 : vector<16xi32> to vector<1x16xi32>
      tpu.vector_store %arg8[%swap3A_234, %swap3A_235], %swap3A_238 {strides = array<i32>} : memref<2x128xi32, #tpu.memory_space<vmem>>, vector<1x16xi32>,
      %dma_start3A = arith.constant 0 : i32
      %dma_start3A_239 = arith.constant 0 : i32
      %dma_start3A_240 = tpu.memref_slice %arg7[%dma_start3A, %dma_start3A_239] : memref<2x128xi32, #tpu.memory_space<vmem>> -> memref<1x128xi32, #tpu.memory_space<vmem>>
      %dma_start3A_241 = tpu.memref_squeeze %dma_start3A_240 : memref<1x128xi32, #tpu.memory_space<vmem>> -> memref<128xi32, #tpu.memory_space<vmem>>
      %dma_start3A_242 = arith.constant 0 : i32
      %dma_start3A_243 = arith.constant 0 : i32
      %dma_start3A_244 = tpu.memref_slice %arg2[%dma_start3A_242, %dma_start3A_243] : memref<10000x128xf32, #tpu.memory_space<hbm>> -> memref<10000x128xf32, #tpu.memory_space<hbm>>
      tpu.enqueue_indirect_dma source(%dma_start3A_244 : memref<10000x128xf32, #tpu.memory_space<hbm>>) target(%arg9 : memref<128x128xf32, #tpu.memory_space<vmem>>) offsets(%dma_start3A_241 : memref<128xi32, #tpu.memory_space<vmem>>) semaphore(%arg12 : memref<!tpu.dma_semaphore, #tpu.memory_space<semaphore_mem>>)
      %while3A = arith.constant 0 : i32
      %while3A_245 = arith.constant 0 : i32
      %while3A_246 = arith.subi %select_n3A_42, %while3A_245 : i32
      %while3A_247 = arith.addi %while3A_245, %while3A_246 : i32
      %while3A_248 = arith.constant 1 : i32
      %while3A_249 = arith.divsi %while3A_246, %while3A_248 : i32
      %while3A_250 = arith.muli %while3A_249, %while3A_248 : i32
      %while3A_251 = arith.addi %while3A_245, %while3A_250 : i32
      %while3A_252 = arith.constant 1 : i32
      scf.for %while3A_260 = %while3A_245 to %while3A_251 step %while3A_252  : i32 {
        %dma_wait3A_261 = arith.constant 0 : i32
        %dma_wait3A_262 = arith.constant 0 : i32
        %dma_wait3A_263 = tpu.memref_slice %arg7[%dma_wait3A_261, %dma_wait3A_262] : memref<2x128xi32, #tpu.memory_space<vmem>> -> memref<1x128xi32, #tpu.memory_space<vmem>>
        %dma_wait3A_264 = tpu.memref_squeeze %dma_wait3A_263 : memref<1x128xi32, #tpu.memory_space<vmem>> -> memref<128xi32, #tpu.memory_space<vmem>>
        %dma_wait3A_265 = arith.constant 0 : i32
        %dma_wait3A_266 = arith.constant 0 : i32
        %dma_wait3A_267 = tpu.memref_slice %arg2[%dma_wait3A_265, %dma_wait3A_266] : memref<10000x128xf32, #tpu.memory_space<hbm>> -> memref<10000x128xf32, #tpu.memory_space<hbm>>
        tpu.wait_indirect_dma semaphore(%arg12 : memref<!tpu.dma_semaphore, #tpu.memory_space<semaphore_mem>>) src(%dma_wait3A_267 : memref<10000x128xf32, #tpu.memory_space<hbm>>) dst(%arg9 : memref<128x128xf32, #tpu.memory_space<vmem>>)
        %dma_start3A_268 = arith.constant 0 : i32
        %dma_start3A_269 = arith.constant 0 : i32
        %dma_start3A_270 = tpu.memref_slice %arg8[%dma_start3A_268, %dma_start3A_269] : memref<2x128xi32, #tpu.memory_space<vmem>> -> memref<1x128xi32, #tpu.memory_space<vmem>>
        %dma_start3A_271 = tpu.memref_squeeze %dma_start3A_270 : memref<1x128xi32, #tpu.memory_space<vmem>> -> memref<128xi32, #tpu.memory_space<vmem>>
        %dma_start3A_272 = arith.constant 0 : i32
        %dma_start3A_273 = arith.constant 0 : i32
        %dma_start3A_274 = tpu.memref_slice %arg11[%dma_start3A_272, %dma_start3A_273] : memref<10112x128xf32, #tpu.memory_space<vmem_shared>> -> memref<10112x128xf32, #tpu.memory_space<vmem_shared>>
        tpu.enqueue_indirect_dma source(%arg9 : memref<128x128xf32, #tpu.memory_space<vmem>>) target(%dma_start3A_274 : memref<10112x128xf32, #tpu.memory_space<vmem_shared>>) offsets(%dma_start3A_271 : memref<128xi32, #tpu.memory_space<vmem>>) semaphore(%arg14 : memref<!tpu.dma_semaphore, #tpu.memory_space<semaphore_mem>>) {add = true}
        %gt3A_275 = arith.constant 0 : i32
        %gt3A_276 = arith.cmpi sgt, %while3A_260, %gt3A_275 : i32
        %convert_element_type3A_277 = arith.extui %gt3A_276 : i1 to i32
        %cond3A_278 = arith.constant 0 : i32
        %cond3A_279 = arith.cmpi ne, %convert_element_type3A_277, %cond3A_278 : i32
        scf.if %cond3A_279 {
          %dma_wait3A_493 = arith.constant 1 : i32
          %dma_wait3A_494 = arith.constant 0 : i32
          %dma_wait3A_495 = tpu.memref_slice %arg8[%dma_wait3A_493, %dma_wait3A_494] : memref<2x128xi32, #tpu.memory_space<vmem>> -> memref<1x128xi32, #tpu.memory_space<vmem>>
          %dma_wait3A_496 = tpu.memref_squeeze %dma_wait3A_495 : memref<1x128xi32, #tpu.memory_space<vmem>> -> memref<128xi32, #tpu.memory_space<vmem>>
          %dma_wait3A_497 = arith.constant 0 : i32
          %dma_wait3A_498 = arith.constant 0 : i32
          %dma_wait3A_499 = tpu.memref_slice %arg11[%dma_wait3A_497, %dma_wait3A_498] : memref<10112x128xf32, #tpu.memory_space<vmem_shared>> -> memref<10112x128xf32, #tpu.memory_space<vmem_shared>>
          tpu.wait_indirect_dma semaphore(%arg15 : memref<!tpu.dma_semaphore, #tpu.memory_space<semaphore_mem>>) src(%arg10 : memref<128x128xf32, #tpu.memory_space<vmem>>) dst(%dma_wait3A_499 : memref<10112x128xf32, #tpu.memory_space<vmem_shared>>)
        } else {
        }
        %mul3A_280 = arith.constant 2 : i32
        %mul3A_281 = arith.muli %mul3A_280, %while3A_260 : i32
        %add3A_282 = arith.constant 1 : i32
        %add3A_283 = arith.addi %mul3A_281, %add3A_282 : i32
        %get3A_284 = arith.index_cast %add3A_283 : i32 to index
        %get3A_285 = arith.constant 0 : index
        %get3A_286 = tpu.vector_load %arg6[%get3A_284, %get3A_285] {strides = array<i32>} : memref<128x128xi32, #tpu.memory_space<vmem>>, vector<1x16xi32>,
        %get3A_287 = vector.shape_cast %get3A_286 : vector<1x16xi32> to vector<16xi32>
        %and3A_288 = arith.constant 65535 : i32
        %and3A_289 = vector.broadcast %and3A_288 : i32 to vector<16xi32>
        %and3A_290 = arith.andi %get3A_287, %and3A_289 : vector<16xi32>
        %swap3A_291 = arith.constant 1 : i32
        %swap3A_292 = arith.index_cast %swap3A_291 : i32 to index
        %swap3A_293 = arith.constant 0 : index
        %swap3A_294 = tpu.vector_load %arg7[%swap3A_292, %swap3A_293] {strides = array<i32>} : memref<2x128xi32, #tpu.memory_space<vmem>>, vector<1x16xi32>,
        %swap3A_295 = vector.shape_cast %swap3A_294 : vector<1x16xi32> to vector<16xi32>
        %swap3A_296 = vector.shape_cast %and3A_290 : vector<16xi32> to vector<1x16xi32>
        tpu.vector_store %arg7[%swap3A_292, %swap3A_293], %swap3A_296 {strides = array<i32>} : memref<2x128xi32, #tpu.memory_space<vmem>>, vector<1x16xi32>,
        %shift_right_logical3A_297 = arith.constant 16 : i32
        %shift_right_logical3A_298 = vector.broadcast %shift_right_logical3A_297 : i32 to vector<16xi32>
        %shift_right_logical3A_299 = arith.shrui %get3A_287, %shift_right_logical3A_298 : vector<16xi32>
        %swap3A_300 = arith.constant 1 : i32
        %swap3A_301 = arith.index_cast %swap3A_300 : i32 to index
        %swap3A_302 = arith.constant 0 : index
        %swap3A_303 = tpu.vector_load %arg8[%swap3A_301, %swap3A_302] {strides = array<i32>} : memref<2x128xi32, #tpu.memory_space<vmem>>, vector<1x16xi32>,
        %swap3A_304 = vector.shape_cast %swap3A_303 : vector<1x16xi32> to vector<16xi32>
        %swap3A_305 = vector.shape_cast %shift_right_logical3A_299 : vector<16xi32> to vector<1x16xi32>
        tpu.vector_store %arg8[%swap3A_301, %swap3A_302], %swap3A_305 {strides = array<i32>} : memref<2x128xi32, #tpu.memory_space<vmem>>, vector<1x16xi32>,
        %get3A_306 = arith.index_cast %add3A_283 : i32 to index
        %get3A_307 = arith.constant 16 : index
        %get3A_308 = tpu.vector_load %arg6[%get3A_306, %get3A_307] {strides = array<i32>} : memref<128x128xi32, #tpu.memory_space<vmem>>, vector<1x16xi32>,
        %get3A_309 = vector.shape_cast %get3A_308 : vector<1x16xi32> to vector<16xi32>
        %and3A_310 = arith.constant 65535 : i32
        %and3A_311 = vector.broadcast %and3A_310 : i32 to vector<16xi32>
        %and3A_312 = arith.andi %get3A_309, %and3A_311 : vector<16xi32>
        %swap3A_313 = arith.constant 1 : i32
        %swap3A_314 = arith.index_cast %swap3A_313 : i32 to index
        %swap3A_315 = arith.constant 16 : index
        %swap3A_316 = tpu.vector_load %arg7[%swap3A_314, %swap3A_315] {strides = array<i32>} : memref<2x128xi32, #tpu.memory_space<vmem>>, vector<1x16xi32>,
        %swap3A_317 = vector.shape_cast %swap3A_316 : vector<1x16xi32> to vector<16xi32>
        %swap3A_318 = vector.shape_cast %and3A_312 : vector<16xi32> to vector<1x16xi32>
        tpu.vector_store %arg7[%swap3A_314, %swap3A_315], %swap3A_318 {strides = array<i32>} : memref<2x128xi32, #tpu.memory_space<vmem>>, vector<1x16xi32>,
        %shift_right_logical3A_319 = arith.constant 16 : i32
        %shift_right_logical3A_320 = vector.broadcast %shift_right_logical3A_319 : i32 to vector<16xi32>
        %shift_right_logical3A_321 = arith.shrui %get3A_309, %shift_right_logical3A_320 : vector<16xi32>
        %swap3A_322 = arith.constant 1 : i32
        %swap3A_323 = arith.index_cast %swap3A_322 : i32 to index
        %swap3A_324 = arith.constant 16 : index
        %swap3A_325 = tpu.vector_load %arg8[%swap3A_323, %swap3A_324] {strides = array<i32>} : memref<2x128xi32, #tpu.memory_space<vmem>>, vector<1x16xi32>,
        %swap3A_326 = vector.shape_cast %swap3A_325 : vector<1x16xi32> to vector<16xi32>
        %swap3A_327 = vector.shape_cast %shift_right_logical3A_321 : vector<16xi32> to vector<1x16xi32>
        tpu.vector_store %arg8[%swap3A_323, %swap3A_324], %swap3A_327 {strides = array<i32>} : memref<2x128xi32, #tpu.memory_space<vmem>>, vector<1x16xi32>,
        %get3A_328 = arith.index_cast %add3A_283 : i32 to index
        %get3A_329 = arith.constant 32 : index
        %get3A_330 = tpu.vector_load %arg6[%get3A_328, %get3A_329] {strides = array<i32>} : memref<128x128xi32, #tpu.memory_space<vmem>>, vector<1x16xi32>,
        %get3A_331 = vector.shape_cast %get3A_330 : vector<1x16xi32> to vector<16xi32>
        %and3A_332 = arith.constant 65535 : i32
        %and3A_333 = vector.broadcast %and3A_332 : i32 to vector<16xi32>
        %and3A_334 = arith.andi %get3A_331, %and3A_333 : vector<16xi32>
        %swap3A_335 = arith.constant 1 : i32
        %swap3A_336 = arith.index_cast %swap3A_335 : i32 to index
        %swap3A_337 = arith.constant 32 : index
        %swap3A_338 = tpu.vector_load %arg7[%swap3A_336, %swap3A_337] {strides = array<i32>} : memref<2x128xi32, #tpu.memory_space<vmem>>, vector<1x16xi32>,
        %swap3A_339 = vector.shape_cast %swap3A_338 : vector<1x16xi32> to vector<16xi32>
        %swap3A_340 = vector.shape_cast %and3A_334 : vector<16xi32> to vector<1x16xi32>
        tpu.vector_store %arg7[%swap3A_336, %swap3A_337], %swap3A_340 {strides = array<i32>} : memref<2x128xi32, #tpu.memory_space<vmem>>, vector<1x16xi32>,
        %shift_right_logical3A_341 = arith.constant 16 : i32
        %shift_right_logical3A_342 = vector.broadcast %shift_right_logical3A_341 : i32 to vector<16xi32>
        %shift_right_logical3A_343 = arith.shrui %get3A_331, %shift_right_logical3A_342 : vector<16xi32>
        %swap3A_344 = arith.constant 1 : i32
        %swap3A_345 = arith.index_cast %swap3A_344 : i32 to index
        %swap3A_346 = arith.constant 32 : index
        %swap3A_347 = tpu.vector_load %arg8[%swap3A_345, %swap3A_346] {strides = array<i32>} : memref<2x128xi32, #tpu.memory_space<vmem>>, vector<1x16xi32>,
        %swap3A_348 = vector.shape_cast %swap3A_347 : vector<1x16xi32> to vector<16xi32>
        %swap3A_349 = vector.shape_cast %shift_right_logical3A_343 : vector<16xi32> to vector<1x16xi32>
        tpu.vector_store %arg8[%swap3A_345, %swap3A_346], %swap3A_349 {strides = array<i32>} : memref<2x128xi32, #tpu.memory_space<vmem>>, vector<1x16xi32>,
        %get3A_350 = arith.index_cast %add3A_283 : i32 to index
        %get3A_351 = arith.constant 48 : index
        %get3A_352 = tpu.vector_load %arg6[%get3A_350, %get3A_351] {strides = array<i32>} : memref<128x128xi32, #tpu.memory_space<vmem>>, vector<1x16xi32>,
        %get3A_353 = vector.shape_cast %get3A_352 : vector<1x16xi32> to vector<16xi32>
        %and3A_354 = arith.constant 65535 : i32
        %and3A_355 = vector.broadcast %and3A_354 : i32 to vector<16xi32>
        %and3A_356 = arith.andi %get3A_353, %and3A_355 : vector<16xi32>
        %swap3A_357 = arith.constant 1 : i32
        %swap3A_358 = arith.index_cast %swap3A_357 : i32 to index
        %swap3A_359 = arith.constant 48 : index
        %swap3A_360 = tpu.vector_load %arg7[%swap3A_358, %swap3A_359] {strides = array<i32>} : memref<2x128xi32, #tpu.memory_space<vmem>>, vector<1x16xi32>,
        %swap3A_361 = vector.shape_cast %swap3A_360 : vector<1x16xi32> to vector<16xi32>
        %swap3A_362 = vector.shape_cast %and3A_356 : vector<16xi32> to vector<1x16xi32>
        tpu.vector_store %arg7[%swap3A_358, %swap3A_359], %swap3A_362 {strides = array<i32>} : memref<2x128xi32, #tpu.memory_space<vmem>>, vector<1x16xi32>,
        %shift_right_logical3A_363 = arith.constant 16 : i32
        %shift_right_logical3A_364 = vector.broadcast %shift_right_logical3A_363 : i32 to vector<16xi32>
        %shift_right_logical3A_365 = arith.shrui %get3A_353, %shift_right_logical3A_364 : vector<16xi32>
        %swap3A_366 = arith.constant 1 : i32
        %swap3A_367 = arith.index_cast %swap3A_366 : i32 to index
        %swap3A_368 = arith.constant 48 : index
        %swap3A_369 = tpu.vector_load %arg8[%swap3A_367, %swap3A_368] {strides = array<i32>} : memref<2x128xi32, #tpu.memory_space<vmem>>, vector<1x16xi32>,
        %swap3A_370 = vector.shape_cast %swap3A_369 : vector<1x16xi32> to vector<16xi32>
        %swap3A_371 = vector.shape_cast %shift_right_logical3A_365 : vector<16xi32> to vector<1x16xi32>
        tpu.vector_store %arg8[%swap3A_367, %swap3A_368], %swap3A_371 {strides = array<i32>} : memref<2x128xi32, #tpu.memory_space<vmem>>, vector<1x16xi32>,
        %get3A_372 = arith.index_cast %add3A_283 : i32 to index
        %get3A_373 = arith.constant 64 : index
        %get3A_374 = tpu.vector_load %arg6[%get3A_372, %get3A_373] {strides = array<i32>} : memref<128x128xi32, #tpu.memory_space<vmem>>, vector<1x16xi32>,
        %get3A_375 = vector.shape_cast %get3A_374 : vector<1x16xi32> to vector<16xi32>
        %and3A_376 = arith.constant 65535 : i32
        %and3A_377 = vector.broadcast %and3A_376 : i32 to vector<16xi32>
        %and3A_378 = arith.andi %get3A_375, %and3A_377 : vector<16xi32>
        %swap3A_379 = arith.constant 1 : i32
        %swap3A_380 = arith.index_cast %swap3A_379 : i32 to index
        %swap3A_381 = arith.constant 64 : index
        %swap3A_382 = tpu.vector_load %arg7[%swap3A_380, %swap3A_381] {strides = array<i32>} : memref<2x128xi32, #tpu.memory_space<vmem>>, vector<1x16xi32>,
        %swap3A_383 = vector.shape_cast %swap3A_382 : vector<1x16xi32> to vector<16xi32>
        %swap3A_384 = vector.shape_cast %and3A_378 : vector<16xi32> to vector<1x16xi32>
        tpu.vector_store %arg7[%swap3A_380, %swap3A_381], %swap3A_384 {strides = array<i32>} : memref<2x128xi32, #tpu.memory_space<vmem>>, vector<1x16xi32>,
        %shift_right_logical3A_385 = arith.constant 16 : i32
        %shift_right_logical3A_386 = vector.broadcast %shift_right_logical3A_385 : i32 to vector<16xi32>
        %shift_right_logical3A_387 = arith.shrui %get3A_375, %shift_right_logical3A_386 : vector<16xi32>
        %swap3A_388 = arith.constant 1 : i32
        %swap3A_389 = arith.index_cast %swap3A_388 : i32 to index
        %swap3A_390 = arith.constant 64 : index
        %swap3A_391 = tpu.vector_load %arg8[%swap3A_389, %swap3A_390] {strides = array<i32>} : memref<2x128xi32, #tpu.memory_space<vmem>>, vector<1x16xi32>,
        %swap3A_392 = vector.shape_cast %swap3A_391 : vector<1x16xi32> to vector<16xi32>
        %swap3A_393 = vector.shape_cast %shift_right_logical3A_387 : vector<16xi32> to vector<1x16xi32>
        tpu.vector_store %arg8[%swap3A_389, %swap3A_390], %swap3A_393 {strides = array<i32>} : memref<2x128xi32, #tpu.memory_space<vmem>>, vector<1x16xi32>,
        %get3A_394 = arith.index_cast %add3A_283 : i32 to index
        %get3A_395 = arith.constant 80 : index
        %get3A_396 = tpu.vector_load %arg6[%get3A_394, %get3A_395] {strides = array<i32>} : memref<128x128xi32, #tpu.memory_space<vmem>>, vector<1x16xi32>,
        %get3A_397 = vector.shape_cast %get3A_396 : vector<1x16xi32> to vector<16xi32>
        %and3A_398 = arith.constant 65535 : i32
        %and3A_399 = vector.broadcast %and3A_398 : i32 to vector<16xi32>
        %and3A_400 = arith.andi %get3A_397, %and3A_399 : vector<16xi32>
        %swap3A_401 = arith.constant 1 : i32
        %swap3A_402 = arith.index_cast %swap3A_401 : i32 to index
        %swap3A_403 = arith.constant 80 : index
        %swap3A_404 = tpu.vector_load %arg7[%swap3A_402, %swap3A_403] {strides = array<i32>} : memref<2x128xi32, #tpu.memory_space<vmem>>, vector<1x16xi32>,
        %swap3A_405 = vector.shape_cast %swap3A_404 : vector<1x16xi32> to vector<16xi32>
        %swap3A_406 = vector.shape_cast %and3A_400 : vector<16xi32> to vector<1x16xi32>
        tpu.vector_store %arg7[%swap3A_402, %swap3A_403], %swap3A_406 {strides = array<i32>} : memref<2x128xi32, #tpu.memory_space<vmem>>, vector<1x16xi32>,
        %shift_right_logical3A_407 = arith.constant 16 : i32
        %shift_right_logical3A_408 = vector.broadcast %shift_right_logical3A_407 : i32 to vector<16xi32>
        %shift_right_logical3A_409 = arith.shrui %get3A_397, %shift_right_logical3A_408 : vector<16xi32>
        %swap3A_410 = arith.constant 1 : i32
        %swap3A_411 = arith.index_cast %swap3A_410 : i32 to index
        %swap3A_412 = arith.constant 80 : index
        %swap3A_413 = tpu.vector_load %arg8[%swap3A_411, %swap3A_412] {strides = array<i32>} : memref<2x128xi32, #tpu.memory_space<vmem>>, vector<1x16xi32>,
        %swap3A_414 = vector.shape_cast %swap3A_413 : vector<1x16xi32> to vector<16xi32>
        %swap3A_415 = vector.shape_cast %shift_right_logical3A_409 : vector<16xi32> to vector<1x16xi32>
        tpu.vector_store %arg8[%swap3A_411, %swap3A_412], %swap3A_415 {strides = array<i32>} : memref<2x128xi32, #tpu.memory_space<vmem>>, vector<1x16xi32>,
        %get3A_416 = arith.index_cast %add3A_283 : i32 to index
        %get3A_417 = arith.constant 96 : index
        %get3A_418 = tpu.vector_load %arg6[%get3A_416, %get3A_417] {strides = array<i32>} : memref<128x128xi32, #tpu.memory_space<vmem>>, vector<1x16xi32>,
        %get3A_419 = vector.shape_cast %get3A_418 : vector<1x16xi32> to vector<16xi32>
        %and3A_420 = arith.constant 65535 : i32
        %and3A_421 = vector.broadcast %and3A_420 : i32 to vector<16xi32>
        %and3A_422 = arith.andi %get3A_419, %and3A_421 : vector<16xi32>
        %swap3A_423 = arith.constant 1 : i32
        %swap3A_424 = arith.index_cast %swap3A_423 : i32 to index
        %swap3A_425 = arith.constant 96 : index
        %swap3A_426 = tpu.vector_load %arg7[%swap3A_424, %swap3A_425] {strides = array<i32>} : memref<2x128xi32, #tpu.memory_space<vmem>>, vector<1x16xi32>,
        %swap3A_427 = vector.shape_cast %swap3A_426 : vector<1x16xi32> to vector<16xi32>
        %swap3A_428 = vector.shape_cast %and3A_422 : vector<16xi32> to vector<1x16xi32>
        tpu.vector_store %arg7[%swap3A_424, %swap3A_425], %swap3A_428 {strides = array<i32>} : memref<2x128xi32, #tpu.memory_space<vmem>>, vector<1x16xi32>,
        %shift_right_logical3A_429 = arith.constant 16 : i32
        %shift_right_logical3A_430 = vector.broadcast %shift_right_logical3A_429 : i32 to vector<16xi32>
        %shift_right_logical3A_431 = arith.shrui %get3A_419, %shift_right_logical3A_430 : vector<16xi32>
        %swap3A_432 = arith.constant 1 : i32
        %swap3A_433 = arith.index_cast %swap3A_432 : i32 to index
        %swap3A_434 = arith.constant 96 : index
        %swap3A_435 = tpu.vector_load %arg8[%swap3A_433, %swap3A_434] {strides = array<i32>} : memref<2x128xi32, #tpu.memory_space<vmem>>, vector<1x16xi32>,
        %swap3A_436 = vector.shape_cast %swap3A_435 : vector<1x16xi32> to vector<16xi32>
        %swap3A_437 = vector.shape_cast %shift_right_logical3A_431 : vector<16xi32> to vector<1x16xi32>
        tpu.vector_store %arg8[%swap3A_433, %swap3A_434], %swap3A_437 {strides = array<i32>} : memref<2x128xi32, #tpu.memory_space<vmem>>, vector<1x16xi32>,
        %get3A_438 = arith.index_cast %add3A_283 : i32 to index
        %get3A_439 = arith.constant 112 : index
        %get3A_440 = tpu.vector_load %arg6[%get3A_438, %get3A_439] {strides = array<i32>} : memref<128x128xi32, #tpu.memory_space<vmem>>, vector<1x16xi32>,
        %get3A_441 = vector.shape_cast %get3A_440 : vector<1x16xi32> to vector<16xi32>
        %and3A_442 = arith.constant 65535 : i32
        %and3A_443 = vector.broadcast %and3A_442 : i32 to vector<16xi32>
        %and3A_444 = arith.andi %get3A_441, %and3A_443 : vector<16xi32>
        %swap3A_445 = arith.constant 1 : i32
        %swap3A_446 = arith.index_cast %swap3A_445 : i32 to index
        %swap3A_447 = arith.constant 112 : index
        %swap3A_448 = tpu.vector_load %arg7[%swap3A_446, %swap3A_447] {strides = array<i32>} : memref<2x128xi32, #tpu.memory_space<vmem>>, vector<1x16xi32>,
        %swap3A_449 = vector.shape_cast %swap3A_448 : vector<1x16xi32> to vector<16xi32>
        %swap3A_450 = vector.shape_cast %and3A_444 : vector<16xi32> to vector<1x16xi32>
        tpu.vector_store %arg7[%swap3A_446, %swap3A_447], %swap3A_450 {strides = array<i32>} : memref<2x128xi32, #tpu.memory_space<vmem>>, vector<1x16xi32>,
        %shift_right_logical3A_451 = arith.constant 16 : i32
        %shift_right_logical3A_452 = vector.broadcast %shift_right_logical3A_451 : i32 to vector<16xi32>
        %shift_right_logical3A_453 = arith.shrui %get3A_441, %shift_right_logical3A_452 : vector<16xi32>
        %swap3A_454 = arith.constant 1 : i32
        %swap3A_455 = arith.index_cast %swap3A_454 : i32 to index
        %swap3A_456 = arith.constant 112 : index
        %swap3A_457 = tpu.vector_load %arg8[%swap3A_455, %swap3A_456] {strides = array<i32>} : memref<2x128xi32, #tpu.memory_space<vmem>>, vector<1x16xi32>,
        %swap3A_458 = vector.shape_cast %swap3A_457 : vector<1x16xi32> to vector<16xi32>
        %swap3A_459 = vector.shape_cast %shift_right_logical3A_453 : vector<16xi32> to vector<1x16xi32>
        tpu.vector_store %arg8[%swap3A_455, %swap3A_456], %swap3A_459 {strides = array<i32>} : memref<2x128xi32, #tpu.memory_space<vmem>>, vector<1x16xi32>,
        %dma_start3A_460 = arith.constant 1 : i32
        %dma_start3A_461 = arith.constant 0 : i32
        %dma_start3A_462 = tpu.memref_slice %arg7[%dma_start3A_460, %dma_start3A_461] : memref<2x128xi32, #tpu.memory_space<vmem>> -> memref<1x128xi32, #tpu.memory_space<vmem>>
        %dma_start3A_463 = tpu.memref_squeeze %dma_start3A_462 : memref<1x128xi32, #tpu.memory_space<vmem>> -> memref<128xi32, #tpu.memory_space<vmem>>
        %dma_start3A_464 = arith.constant 0 : i32
        %dma_start3A_465 = arith.constant 0 : i32
        %dma_start3A_466 = tpu.memref_slice %arg2[%dma_start3A_464, %dma_start3A_465] : memref<10000x128xf32, #tpu.memory_space<hbm>> -> memref<10000x128xf32, #tpu.memory_space<hbm>>
        tpu.enqueue_indirect_dma source(%dma_start3A_466 : memref<10000x128xf32, #tpu.memory_space<hbm>>) target(%arg10 : memref<128x128xf32, #tpu.memory_space<vmem>>) offsets(%dma_start3A_463 : memref<128xi32, #tpu.memory_space<vmem>>) semaphore(%arg13 : memref<!tpu.dma_semaphore, #tpu.memory_space<semaphore_mem>>)
        %dma_wait3A_467 = arith.constant 1 : i32
        %dma_wait3A_468 = arith.constant 0 : i32
        %dma_wait3A_469 = tpu.memref_slice %arg7[%dma_wait3A_467, %dma_wait3A_468] : memref<2x128xi32, #tpu.memory_space<vmem>> -> memref<1x128xi32, #tpu.memory_space<vmem>>
        %dma_wait3A_470 = tpu.memref_squeeze %dma_wait3A_469 : memref<1x128xi32, #tpu.memory_space<vmem>> -> memref<128xi32, #tpu.memory_space<vmem>>
        %dma_wait3A_471 = arith.constant 0 : i32
        %dma_wait3A_472 = arith.constant 0 : i32
        %dma_wait3A_473 = tpu.memref_slice %arg2[%dma_wait3A_471, %dma_wait3A_472] : memref<10000x128xf32, #tpu.memory_space<hbm>> -> memref<10000x128xf32, #tpu.memory_space<hbm>>
        tpu.wait_indirect_dma semaphore(%arg13 : memref<!tpu.dma_semaphore, #tpu.memory_space<semaphore_mem>>) src(%dma_wait3A_473 : memref<10000x128xf32, #tpu.memory_space<hbm>>) dst(%arg10 : memref<128x128xf32, #tpu.memory_space<vmem>>)
        %dma_start3A_474 = arith.constant 1 : i32
        %dma_start3A_475 = arith.constant 0 : i32
        %dma_start3A_476 = tpu.memref_slice %arg8[%dma_start3A_474, %dma_start3A_475] : memref<2x128xi32, #tpu.memory_space<vmem>> -> memref<1x128xi32, #tpu.memory_space<vmem>>
        %dma_start3A_477 = tpu.memref_squeeze %dma_start3A_476 : memref<1x128xi32, #tpu.memory_space<vmem>> -> memref<128xi32, #tpu.memory_space<vmem>>
        %dma_start3A_478 = arith.constant 0 : i32
        %dma_start3A_479 = arith.constant 0 : i32
        %dma_start3A_480 = tpu.memref_slice %arg11[%dma_start3A_478, %dma_start3A_479] : memref<10112x128xf32, #tpu.memory_space<vmem_shared>> -> memref<10112x128xf32, #tpu.memory_space<vmem_shared>>
        tpu.enqueue_indirect_dma source(%arg10 : memref<128x128xf32, #tpu.memory_space<vmem>>) target(%dma_start3A_480 : memref<10112x128xf32, #tpu.memory_space<vmem_shared>>) offsets(%dma_start3A_477 : memref<128xi32, #tpu.memory_space<vmem>>) semaphore(%arg15 : memref<!tpu.dma_semaphore, #tpu.memory_space<semaphore_mem>>) {add = true}
        %dma_wait3A_481 = arith.constant 0 : i32
        %dma_wait3A_482 = arith.constant 0 : i32
        %dma_wait3A_483 = tpu.memref_slice %arg8[%dma_wait3A_481, %dma_wait3A_482] : memref<2x128xi32, #tpu.memory_space<vmem>> -> memref<1x128xi32, #tpu.memory_space<vmem>>
        %dma_wait3A_484 = tpu.memref_squeeze %dma_wait3A_483 : memref<1x128xi32, #tpu.memory_space<vmem>> -> memref<128xi32, #tpu.memory_space<vmem>>
        %dma_wait3A_485 = arith.constant 0 : i32
        %dma_wait3A_486 = arith.constant 0 : i32
        %dma_wait3A_487 = tpu.memref_slice %arg11[%dma_wait3A_485, %dma_wait3A_486] : memref<10112x128xf32, #tpu.memory_space<vmem_shared>> -> memref<10112x128xf32, #tpu.memory_space<vmem_shared>>
        tpu.wait_indirect_dma semaphore(%arg14 : memref<!tpu.dma_semaphore, #tpu.memory_space<semaphore_mem>>) src(%arg9 : memref<128x128xf32, #tpu.memory_space<vmem>>) dst(%dma_wait3A_487 : memref<10112x128xf32, #tpu.memory_space<vmem_shared>>)
        %sub3A_488 = arith.constant 1 : i32
        %sub3A_489 = arith.subi %select_n3A_42, %sub3A_488 : i32
        %lt3A = arith.cmpi slt, %while3A_260, %sub3A_489 : i32
        %convert_element_type3A_490 = arith.extui %lt3A : i1 to i32
        %cond3A_491 = arith.constant 0 : i32
        %cond3A_492 = arith.cmpi ne, %convert_element_type3A_490, %cond3A_491 : i32
        scf.if %cond3A_492 {
          %mul3A_493 = arith.constant 2 : i32
          %mul3A_494 = arith.muli %mul3A_493, %while3A_260 : i32
          %add3A_495 = arith.constant 2 : i32
          %add3A_496 = arith.addi %mul3A_494, %add3A_495 : i32
          %get3A_497 = arith.index_cast %add3A_496 : i32 to index
          %get3A_498 = arith.constant 0 : index
          %get3A_499 = tpu.vector_load %arg6[%get3A_497, %get3A_498] {strides = array<i32>} : memref<128x128xi32, #tpu.memory_space<vmem>>, vector<1x16xi32>,
          %get3A_500 = vector.shape_cast %get3A_499 : vector<1x16xi32> to vector<16xi32>
          %and3A_501 = arith.constant 65535 : i32
          %and3A_502 = vector.broadcast %and3A_501 : i32 to vector<16xi32>
          %and3A_503 = arith.andi %get3A_500, %and3A_502 : vector<16xi32>
          %swap3A_504 = arith.constant 0 : i32
          %swap3A_505 = arith.index_cast %swap3A_504 : i32 to index
          %swap3A_506 = arith.constant 0 : index
          %swap3A_507 = tpu.vector_load %arg7[%swap3A_505, %swap3A_506] {strides = array<i32>} : memref<2x128xi32, #tpu.memory_space<vmem>>, vector<1x16xi32>,
          %swap3A_508 = vector.shape_cast %swap3A_507 : vector<1x16xi32> to vector<16xi32>
          %swap3A_509 = vector.shape_cast %and3A_503 : vector<16xi32> to vector<1x16xi32>
          tpu.vector_store %arg7[%swap3A_505, %swap3A_506], %swap3A_509 {strides = array<i32>} : memref<2x128xi32, #tpu.memory_space<vmem>>, vector<1x16xi32>,
          %shift_right_logical3A_510 = arith.constant 16 : i32
          %shift_right_logical3A_511 = vector.broadcast %shift_right_logical3A_510 : i32 to vector<16xi32>
          %shift_right_logical3A_512 = arith.shrui %get3A_500, %shift_right_logical3A_511 : vector<16xi32>
          %swap3A_513 = arith.constant 0 : i32
          %swap3A_514 = arith.index_cast %swap3A_513 : i32 to index
          %swap3A_515 = arith.constant 0 : index
          %swap3A_516 = tpu.vector_load %arg8[%swap3A_514, %swap3A_515] {strides = array<i32>} : memref<2x128xi32, #tpu.memory_space<vmem>>, vector<1x16xi32>,
          %swap3A_517 = vector.shape_cast %swap3A_516 : vector<1x16xi32> to vector<16xi32>
          %swap3A_518 = vector.shape_cast %shift_right_logical3A_512 : vector<16xi32> to vector<1x16xi32>
          tpu.vector_store %arg8[%swap3A_514, %swap3A_515], %swap3A_518 {strides = array<i32>} : memref<2x128xi32, #tpu.memory_space<vmem>>, vector<1x16xi32>,
          %get3A_519 = arith.index_cast %add3A_496 : i32 to index
          %get3A_520 = arith.constant 16 : index
          %get3A_521 = tpu.vector_load %arg6[%get3A_519, %get3A_520] {strides = array<i32>} : memref<128x128xi32, #tpu.memory_space<vmem>>, vector<1x16xi32>,
          %get3A_522 = vector.shape_cast %get3A_521 : vector<1x16xi32> to vector<16xi32>
          %and3A_523 = arith.constant 65535 : i32
          %and3A_524 = vector.broadcast %and3A_523 : i32 to vector<16xi32>
          %and3A_525 = arith.andi %get3A_522, %and3A_524 : vector<16xi32>
          %swap3A_526 = arith.constant 0 : i32
          %swap3A_527 = arith.index_cast %swap3A_526 : i32 to index
          %swap3A_528 = arith.constant 16 : index
          %swap3A_529 = tpu.vector_load %arg7[%swap3A_527, %swap3A_528] {strides = array<i32>} : memref<2x128xi32, #tpu.memory_space<vmem>>, vector<1x16xi32>,
          %swap3A_530 = vector.shape_cast %swap3A_529 : vector<1x16xi32> to vector<16xi32>
          %swap3A_531 = vector.shape_cast %and3A_525 : vector<16xi32> to vector<1x16xi32>
          tpu.vector_store %arg7[%swap3A_527, %swap3A_528], %swap3A_531 {strides = array<i32>} : memref<2x128xi32, #tpu.memory_space<vmem>>, vector<1x16xi32>,
          %shift_right_logical3A_532 = arith.constant 16 : i32
          %shift_right_logical3A_533 = vector.broadcast %shift_right_logical3A_532 : i32 to vector<16xi32>
          %shift_right_logical3A_534 = arith.shrui %get3A_522, %shift_right_logical3A_533 : vector<16xi32>
          %swap3A_535 = arith.constant 0 : i32
          %swap3A_536 = arith.index_cast %swap3A_535 : i32 to index
          %swap3A_537 = arith.constant 16 : index
          %swap3A_538 = tpu.vector_load %arg8[%swap3A_536, %swap3A_537] {strides = array<i32>} : memref<2x128xi32, #tpu.memory_space<vmem>>, vector<1x16xi32>,
          %swap3A_539 = vector.shape_cast %swap3A_538 : vector<1x16xi32> to vector<16xi32>
          %swap3A_540 = vector.shape_cast %shift_right_logical3A_534 : vector<16xi32> to vector<1x16xi32>
          tpu.vector_store %arg8[%swap3A_536, %swap3A_537], %swap3A_540 {strides = array<i32>} : memref<2x128xi32, #tpu.memory_space<vmem>>, vector<1x16xi32>,
          %get3A_541 = arith.index_cast %add3A_496 : i32 to index
          %get3A_542 = arith.constant 32 : index
          %get3A_543 = tpu.vector_load %arg6[%get3A_541, %get3A_542] {strides = array<i32>} : memref<128x128xi32, #tpu.memory_space<vmem>>, vector<1x16xi32>,
          %get3A_544 = vector.shape_cast %get3A_543 : vector<1x16xi32> to vector<16xi32>
          %and3A_545 = arith.constant 65535 : i32
          %and3A_546 = vector.broadcast %and3A_545 : i32 to vector<16xi32>
          %and3A_547 = arith.andi %get3A_544, %and3A_546 : vector<16xi32>
          %swap3A_548 = arith.constant 0 : i32
          %swap3A_549 = arith.index_cast %swap3A_548 : i32 to index
          %swap3A_550 = arith.constant 32 : index
          %swap3A_551 = tpu.vector_load %arg7[%swap3A_549, %swap3A_550] {strides = array<i32>} : memref<2x128xi32, #tpu.memory_space<vmem>>, vector<1x16xi32>,
          %swap3A_552 = vector.shape_cast %swap3A_551 : vector<1x16xi32> to vector<16xi32>
          %swap3A_553 = vector.shape_cast %and3A_547 : vector<16xi32> to vector<1x16xi32>
          tpu.vector_store %arg7[%swap3A_549, %swap3A_550], %swap3A_553 {strides = array<i32>} : memref<2x128xi32, #tpu.memory_space<vmem>>, vector<1x16xi32>,
          %shift_right_logical3A_554 = arith.constant 16 : i32
          %shift_right_logical3A_555 = vector.broadcast %shift_right_logical3A_554 : i32 to vector<16xi32>
          %shift_right_logical3A_556 = arith.shrui %get3A_544, %shift_right_logical3A_555 : vector<16xi32>
          %swap3A_557 = arith.constant 0 : i32
          %swap3A_558 = arith.index_cast %swap3A_557 : i32 to index
          %swap3A_559 = arith.constant 32 : index
          %swap3A_560 = tpu.vector_load %arg8[%swap3A_558, %swap3A_559] {strides = array<i32>} : memref<2x128xi32, #tpu.memory_space<vmem>>, vector<1x16xi32>,
          %swap3A_561 = vector.shape_cast %swap3A_560 : vector<1x16xi32> to vector<16xi32>
          %swap3A_562 = vector.shape_cast %shift_right_logical3A_556 : vector<16xi32> to vector<1x16xi32>
          tpu.vector_store %arg8[%swap3A_558, %swap3A_559], %swap3A_562 {strides = array<i32>} : memref<2x128xi32, #tpu.memory_space<vmem>>, vector<1x16xi32>,
          %get3A_563 = arith.index_cast %add3A_496 : i32 to index
          %get3A_564 = arith.constant 48 : index
          %get3A_565 = tpu.vector_load %arg6[%get3A_563, %get3A_564] {strides = array<i32>} : memref<128x128xi32, #tpu.memory_space<vmem>>, vector<1x16xi32>,
          %get3A_566 = vector.shape_cast %get3A_565 : vector<1x16xi32> to vector<16xi32>
          %and3A_567 = arith.constant 65535 : i32
          %and3A_568 = vector.broadcast %and3A_567 : i32 to vector<16xi32>
          %and3A_569 = arith.andi %get3A_566, %and3A_568 : vector<16xi32>
          %swap3A_570 = arith.constant 0 : i32
          %swap3A_571 = arith.index_cast %swap3A_570 : i32 to index
          %swap3A_572 = arith.constant 48 : index
          %swap3A_573 = tpu.vector_load %arg7[%swap3A_571, %swap3A_572] {strides = array<i32>} : memref<2x128xi32, #tpu.memory_space<vmem>>, vector<1x16xi32>,
          %swap3A_574 = vector.shape_cast %swap3A_573 : vector<1x16xi32> to vector<16xi32>
          %swap3A_575 = vector.shape_cast %and3A_569 : vector<16xi32> to vector<1x16xi32>
          tpu.vector_store %arg7[%swap3A_571, %swap3A_572], %swap3A_575 {strides = array<i32>} : memref<2x128xi32, #tpu.memory_space<vmem>>, vector<1x16xi32>,
          %shift_right_logical3A_576 = arith.constant 16 : i32
          %shift_right_logical3A_577 = vector.broadcast %shift_right_logical3A_576 : i32 to vector<16xi32>
          %shift_right_logical3A_578 = arith.shrui %get3A_566, %shift_right_logical3A_577 : vector<16xi32>
          %swap3A_579 = arith.constant 0 : i32
          %swap3A_580 = arith.index_cast %swap3A_579 : i32 to index
          %swap3A_581 = arith.constant 48 : index
          %swap3A_582 = tpu.vector_load %arg8[%swap3A_580, %swap3A_581] {strides = array<i32>} : memref<2x128xi32, #tpu.memory_space<vmem>>, vector<1x16xi32>,
          %swap3A_583 = vector.shape_cast %swap3A_582 : vector<1x16xi32> to vector<16xi32>
          %swap3A_584 = vector.shape_cast %shift_right_logical3A_578 : vector<16xi32> to vector<1x16xi32>
          tpu.vector_store %arg8[%swap3A_580, %swap3A_581], %swap3A_584 {strides = array<i32>} : memref<2x128xi32, #tpu.memory_space<vmem>>, vector<1x16xi32>,
          %get3A_585 = arith.index_cast %add3A_496 : i32 to index
          %get3A_586 = arith.constant 64 : index
          %get3A_587 = tpu.vector_load %arg6[%get3A_585, %get3A_586] {strides = array<i32>} : memref<128x128xi32, #tpu.memory_space<vmem>>, vector<1x16xi32>,
          %get3A_588 = vector.shape_cast %get3A_587 : vector<1x16xi32> to vector<16xi32>
          %and3A_589 = arith.constant 65535 : i32
          %and3A_590 = vector.broadcast %and3A_589 : i32 to vector<16xi32>
          %and3A_591 = arith.andi %get3A_588, %and3A_590 : vector<16xi32>
          %swap3A_592 = arith.constant 0 : i32
          %swap3A_593 = arith.index_cast %swap3A_592 : i32 to index
          %swap3A_594 = arith.constant 64 : index
          %swap3A_595 = tpu.vector_load %arg7[%swap3A_593, %swap3A_594] {strides = array<i32>} : memref<2x128xi32, #tpu.memory_space<vmem>>, vector<1x16xi32>,
          %swap3A_596 = vector.shape_cast %swap3A_595 : vector<1x16xi32> to vector<16xi32>
          %swap3A_597 = vector.shape_cast %and3A_591 : vector<16xi32> to vector<1x16xi32>
          tpu.vector_store %arg7[%swap3A_593, %swap3A_594], %swap3A_597 {strides = array<i32>} : memref<2x128xi32, #tpu.memory_space<vmem>>, vector<1x16xi32>,
          %shift_right_logical3A_598 = arith.constant 16 : i32
          %shift_right_logical3A_599 = vector.broadcast %shift_right_logical3A_598 : i32 to vector<16xi32>
          %shift_right_logical3A_600 = arith.shrui %get3A_588, %shift_right_logical3A_599 : vector<16xi32>
          %swap3A_601 = arith.constant 0 : i32
          %swap3A_602 = arith.index_cast %swap3A_601 : i32 to index
          %swap3A_603 = arith.constant 64 : index
          %swap3A_604 = tpu.vector_load %arg8[%swap3A_602, %swap3A_603] {strides = array<i32>} : memref<2x128xi32, #tpu.memory_space<vmem>>, vector<1x16xi32>,
          %swap3A_605 = vector.shape_cast %swap3A_604 : vector<1x16xi32> to vector<16xi32>
          %swap3A_606 = vector.shape_cast %shift_right_logical3A_600 : vector<16xi32> to vector<1x16xi32>
          tpu.vector_store %arg8[%swap3A_602, %swap3A_603], %swap3A_606 {strides = array<i32>} : memref<2x128xi32, #tpu.memory_space<vmem>>, vector<1x16xi32>,
          %get3A_607 = arith.index_cast %add3A_496 : i32 to index
          %get3A_608 = arith.constant 80 : index
          %get3A_609 = tpu.vector_load %arg6[%get3A_607, %get3A_608] {strides = array<i32>} : memref<128x128xi32, #tpu.memory_space<vmem>>, vector<1x16xi32>,
          %get3A_610 = vector.shape_cast %get3A_609 : vector<1x16xi32> to vector<16xi32>
          %and3A_611 = arith.constant 65535 : i32
          %and3A_612 = vector.broadcast %and3A_611 : i32 to vector<16xi32>
          %and3A_613 = arith.andi %get3A_610, %and3A_612 : vector<16xi32>
          %swap3A_614 = arith.constant 0 : i32
          %swap3A_615 = arith.index_cast %swap3A_614 : i32 to index
          %swap3A_616 = arith.constant 80 : index
          %swap3A_617 = tpu.vector_load %arg7[%swap3A_615, %swap3A_616] {strides = array<i32>} : memref<2x128xi32, #tpu.memory_space<vmem>>, vector<1x16xi32>,
          %swap3A_618 = vector.shape_cast %swap3A_617 : vector<1x16xi32> to vector<16xi32>
          %swap3A_619 = vector.shape_cast %and3A_613 : vector<16xi32> to vector<1x16xi32>
          tpu.vector_store %arg7[%swap3A_615, %swap3A_616], %swap3A_619 {strides = array<i32>} : memref<2x128xi32, #tpu.memory_space<vmem>>, vector<1x16xi32>,
          %shift_right_logical3A_620 = arith.constant 16 : i32
          %shift_right_logical3A_621 = vector.broadcast %shift_right_logical3A_620 : i32 to vector<16xi32>
          %shift_right_logical3A_622 = arith.shrui %get3A_610, %shift_right_logical3A_621 : vector<16xi32>
          %swap3A_623 = arith.constant 0 : i32
          %swap3A_624 = arith.index_cast %swap3A_623 : i32 to index
          %swap3A_625 = arith.constant 80 : index
          %swap3A_626 = tpu.vector_load %arg8[%swap3A_624, %swap3A_625] {strides = array<i32>} : memref<2x128xi32, #tpu.memory_space<vmem>>, vector<1x16xi32>,
          %swap3A_627 = vector.shape_cast %swap3A_626 : vector<1x16xi32> to vector<16xi32>
          %swap3A_628 = vector.shape_cast %shift_right_logical3A_622 : vector<16xi32> to vector<1x16xi32>
          tpu.vector_store %arg8[%swap3A_624, %swap3A_625], %swap3A_628 {strides = array<i32>} : memref<2x128xi32, #tpu.memory_space<vmem>>, vector<1x16xi32>,
          %get3A_629 = arith.index_cast %add3A_496 : i32 to index
          %get3A_630 = arith.constant 96 : index
          %get3A_631 = tpu.vector_load %arg6[%get3A_629, %get3A_630] {strides = array<i32>} : memref<128x128xi32, #tpu.memory_space<vmem>>, vector<1x16xi32>,
          %get3A_632 = vector.shape_cast %get3A_631 : vector<1x16xi32> to vector<16xi32>
          %and3A_633 = arith.constant 65535 : i32
          %and3A_634 = vector.broadcast %and3A_633 : i32 to vector<16xi32>
          %and3A_635 = arith.andi %get3A_632, %and3A_634 : vector<16xi32>
          %swap3A_636 = arith.constant 0 : i32
          %swap3A_637 = arith.index_cast %swap3A_636 : i32 to index
          %swap3A_638 = arith.constant 96 : index
          %swap3A_639 = tpu.vector_load %arg7[%swap3A_637, %swap3A_638] {strides = array<i32>} : memref<2x128xi32, #tpu.memory_space<vmem>>, vector<1x16xi32>,
          %swap3A_640 = vector.shape_cast %swap3A_639 : vector<1x16xi32> to vector<16xi32>
          %swap3A_641 = vector.shape_cast %and3A_635 : vector<16xi32> to vector<1x16xi32>
          tpu.vector_store %arg7[%swap3A_637, %swap3A_638], %swap3A_641 {strides = array<i32>} : memref<2x128xi32, #tpu.memory_space<vmem>>, vector<1x16xi32>,
          %shift_right_logical3A_642 = arith.constant 16 : i32
          %shift_right_logical3A_643 = vector.broadcast %shift_right_logical3A_642 : i32 to vector<16xi32>
          %shift_right_logical3A_644 = arith.shrui %get3A_632, %shift_right_logical3A_643 : vector<16xi32>
          %swap3A_645 = arith.constant 0 : i32
          %swap3A_646 = arith.index_cast %swap3A_645 : i32 to index
          %swap3A_647 = arith.constant 96 : index
          %swap3A_648 = tpu.vector_load %arg8[%swap3A_646, %swap3A_647] {strides = array<i32>} : memref<2x128xi32, #tpu.memory_space<vmem>>, vector<1x16xi32>,
          %swap3A_649 = vector.shape_cast %swap3A_648 : vector<1x16xi32> to vector<16xi32>
          %swap3A_650 = vector.shape_cast %shift_right_logical3A_644 : vector<16xi32> to vector<1x16xi32>
          tpu.vector_store %arg8[%swap3A_646, %swap3A_647], %swap3A_650 {strides = array<i32>} : memref<2x128xi32, #tpu.memory_space<vmem>>, vector<1x16xi32>,
          %get3A_651 = arith.index_cast %add3A_496 : i32 to index
          %get3A_652 = arith.constant 112 : index
          %get3A_653 = tpu.vector_load %arg6[%get3A_651, %get3A_652] {strides = array<i32>} : memref<128x128xi32, #tpu.memory_space<vmem>>, vector<1x16xi32>,
          %get3A_654 = vector.shape_cast %get3A_653 : vector<1x16xi32> to vector<16xi32>
          %and3A_655 = arith.constant 65535 : i32
          %and3A_656 = vector.broadcast %and3A_655 : i32 to vector<16xi32>
          %and3A_657 = arith.andi %get3A_654, %and3A_656 : vector<16xi32>
          %swap3A_658 = arith.constant 0 : i32
          %swap3A_659 = arith.index_cast %swap3A_658 : i32 to index
          %swap3A_660 = arith.constant 112 : index
          %swap3A_661 = tpu.vector_load %arg7[%swap3A_659, %swap3A_660] {strides = array<i32>} : memref<2x128xi32, #tpu.memory_space<vmem>>, vector<1x16xi32>,
          %swap3A_662 = vector.shape_cast %swap3A_661 : vector<1x16xi32> to vector<16xi32>
          %swap3A_663 = vector.shape_cast %and3A_657 : vector<16xi32> to vector<1x16xi32>
          tpu.vector_store %arg7[%swap3A_659, %swap3A_660], %swap3A_663 {strides = array<i32>} : memref<2x128xi32, #tpu.memory_space<vmem>>, vector<1x16xi32>,
          %shift_right_logical3A_664 = arith.constant 16 : i32
          %shift_right_logical3A_665 = vector.broadcast %shift_right_logical3A_664 : i32 to vector<16xi32>
          %shift_right_logical3A_666 = arith.shrui %get3A_654, %shift_right_logical3A_665 : vector<16xi32>
          %swap3A_667 = arith.constant 0 : i32
          %swap3A_668 = arith.index_cast %swap3A_667 : i32 to index
          %swap3A_669 = arith.constant 112 : index
          %swap3A_670 = tpu.vector_load %arg8[%swap3A_668, %swap3A_669] {strides = array<i32>} : memref<2x128xi32, #tpu.memory_space<vmem>>, vector<1x16xi32>,
          %swap3A_671 = vector.shape_cast %swap3A_670 : vector<1x16xi32> to vector<16xi32>
          %swap3A_672 = vector.shape_cast %shift_right_logical3A_666 : vector<16xi32> to vector<1x16xi32>
          tpu.vector_store %arg8[%swap3A_668, %swap3A_669], %swap3A_672 {strides = array<i32>} : memref<2x128xi32, #tpu.memory_space<vmem>>, vector<1x16xi32>,
          %dma_start3A_673 = arith.constant 0 : i32
          %dma_start3A_674 = arith.constant 0 : i32
          %dma_start3A_675 = tpu.memref_slice %arg7[%dma_start3A_673, %dma_start3A_674] : memref<2x128xi32, #tpu.memory_space<vmem>> -> memref<1x128xi32, #tpu.memory_space<vmem>>
          %dma_start3A_676 = tpu.memref_squeeze %dma_start3A_675 : memref<1x128xi32, #tpu.memory_space<vmem>> -> memref<128xi32, #tpu.memory_space<vmem>>
          %dma_start3A_677 = arith.constant 0 : i32
          %dma_start3A_678 = arith.constant 0 : i32
          %dma_start3A_679 = tpu.memref_slice %arg2[%dma_start3A_677, %dma_start3A_678] : memref<10000x128xf32, #tpu.memory_space<hbm>> -> memref<10000x128xf32, #tpu.memory_space<hbm>>
          tpu.enqueue_indirect_dma source(%dma_start3A_679 : memref<10000x128xf32, #tpu.memory_space<hbm>>) target(%arg9 : memref<128x128xf32, #tpu.memory_space<vmem>>) offsets(%dma_start3A_676 : memref<128xi32, #tpu.memory_space<vmem>>) semaphore(%arg12 : memref<!tpu.dma_semaphore, #tpu.memory_space<semaphore_mem>>)
        } else {
        }
      }
      %while3A_253 = arith.constant 1 : i32
      scf.for %while3A_260 = %while3A_251 to %while3A_247 step %while3A_253  : i32 {
        %dma_wait3A_261 = arith.constant 0 : i32
        %dma_wait3A_262 = arith.constant 0 : i32
        %dma_wait3A_263 = tpu.memref_slice %arg7[%dma_wait3A_261, %dma_wait3A_262] : memref<2x128xi32, #tpu.memory_space<vmem>> -> memref<1x128xi32, #tpu.memory_space<vmem>>
        %dma_wait3A_264 = tpu.memref_squeeze %dma_wait3A_263 : memref<1x128xi32, #tpu.memory_space<vmem>> -> memref<128xi32, #tpu.memory_space<vmem>>
        %dma_wait3A_265 = arith.constant 0 : i32
        %dma_wait3A_266 = arith.constant 0 : i32
        %dma_wait3A_267 = tpu.memref_slice %arg2[%dma_wait3A_265, %dma_wait3A_266] : memref<10000x128xf32, #tpu.memory_space<hbm>> -> memref<10000x128xf32, #tpu.memory_space<hbm>>
        tpu.wait_indirect_dma semaphore(%arg12 : memref<!tpu.dma_semaphore, #tpu.memory_space<semaphore_mem>>) src(%dma_wait3A_267 : memref<10000x128xf32, #tpu.memory_space<hbm>>) dst(%arg9 : memref<128x128xf32, #tpu.memory_space<vmem>>)
        %dma_start3A_268 = arith.constant 0 : i32
        %dma_start3A_269 = arith.constant 0 : i32
        %dma_start3A_270 = tpu.memref_slice %arg8[%dma_start3A_268, %dma_start3A_269] : memref<2x128xi32, #tpu.memory_space<vmem>> -> memref<1x128xi32, #tpu.memory_space<vmem>>
        %dma_start3A_271 = tpu.memref_squeeze %dma_start3A_270 : memref<1x128xi32, #tpu.memory_space<vmem>> -> memref<128xi32, #tpu.memory_space<vmem>>
        %dma_start3A_272 = arith.constant 0 : i32
        %dma_start3A_273 = arith.constant 0 : i32
        %dma_start3A_274 = tpu.memref_slice %arg11[%dma_start3A_272, %dma_start3A_273] : memref<10112x128xf32, #tpu.memory_space<vmem_shared>> -> memref<10112x128xf32, #tpu.memory_space<vmem_shared>>
        tpu.enqueue_indirect_dma source(%arg9 : memref<128x128xf32, #tpu.memory_space<vmem>>) target(%dma_start3A_274 : memref<10112x128xf32, #tpu.memory_space<vmem_shared>>) offsets(%dma_start3A_271 : memref<128xi32, #tpu.memory_space<vmem>>) semaphore(%arg14 : memref<!tpu.dma_semaphore, #tpu.memory_space<semaphore_mem>>) {add = true}
        %gt3A_275 = arith.constant 0 : i32
        %gt3A_276 = arith.cmpi sgt, %while3A_260, %gt3A_275 : i32
        %convert_element_type3A_277 = arith.extui %gt3A_276 : i1 to i32
        %cond3A_278 = arith.constant 0 : i32
        %cond3A_279 = arith.cmpi ne, %convert_element_type3A_277, %cond3A_278 : i32
        scf.if %cond3A_279 {
          %dma_wait3A_493 = arith.constant 1 : i32
          %dma_wait3A_494 = arith.constant 0 : i32
          %dma_wait3A_495 = tpu.memref_slice %arg8[%dma_wait3A_493, %dma_wait3A_494] : memref<2x128xi32, #tpu.memory_space<vmem>> -> memref<1x128xi32, #tpu.memory_space<vmem>>
          %dma_wait3A_496 = tpu.memref_squeeze %dma_wait3A_495 : memref<1x128xi32, #tpu.memory_space<vmem>> -> memref<128xi32, #tpu.memory_space<vmem>>
          %dma_wait3A_497 = arith.constant 0 : i32
          %dma_wait3A_498 = arith.constant 0 : i32
          %dma_wait3A_499 = tpu.memref_slice %arg11[%dma_wait3A_497, %dma_wait3A_498] : memref<10112x128xf32, #tpu.memory_space<vmem_shared>> -> memref<10112x128xf32, #tpu.memory_space<vmem_shared>>
          tpu.wait_indirect_dma semaphore(%arg15 : memref<!tpu.dma_semaphore, #tpu.memory_space<semaphore_mem>>) src(%arg10 : memref<128x128xf32, #tpu.memory_space<vmem>>) dst(%dma_wait3A_499 : memref<10112x128xf32, #tpu.memory_space<vmem_shared>>)
        } else {
        }
        %mul3A_280 = arith.constant 2 : i32
        %mul3A_281 = arith.muli %mul3A_280, %while3A_260 : i32
        %add3A_282 = arith.constant 1 : i32
        %add3A_283 = arith.addi %mul3A_281, %add3A_282 : i32
        %get3A_284 = arith.index_cast %add3A_283 : i32 to index
        %get3A_285 = arith.constant 0 : index
        %get3A_286 = tpu.vector_load %arg6[%get3A_284, %get3A_285] {strides = array<i32>} : memref<128x128xi32, #tpu.memory_space<vmem>>, vector<1x16xi32>,
        %get3A_287 = vector.shape_cast %get3A_286 : vector<1x16xi32> to vector<16xi32>
        %and3A_288 = arith.constant 65535 : i32
        %and3A_289 = vector.broadcast %and3A_288 : i32 to vector<16xi32>
        %and3A_290 = arith.andi %get3A_287, %and3A_289 : vector<16xi32>
        %swap3A_291 = arith.constant 1 : i32
        %swap3A_292 = arith.index_cast %swap3A_291 : i32 to index
        %swap3A_293 = arith.constant 0 : index
        %swap3A_294 = tpu.vector_load %arg7[%swap3A_292, %swap3A_293] {strides = array<i32>} : memref<2x128xi32, #tpu.memory_space<vmem>>, vector<1x16xi32>,
        %swap3A_295 = vector.shape_cast %swap3A_294 : vector<1x16xi32> to vector<16xi32>
        %swap3A_296 = vector.shape_cast %and3A_290 : vector<16xi32> to vector<1x16xi32>
        tpu.vector_store %arg7[%swap3A_292, %swap3A_293], %swap3A_296 {strides = array<i32>} : memref<2x128xi32, #tpu.memory_space<vmem>>, vector<1x16xi32>,
        %shift_right_logical3A_297 = arith.constant 16 : i32
        %shift_right_logical3A_298 = vector.broadcast %shift_right_logical3A_297 : i32 to vector<16xi32>
        %shift_right_logical3A_299 = arith.shrui %get3A_287, %shift_right_logical3A_298 : vector<16xi32>
        %swap3A_300 = arith.constant 1 : i32
        %swap3A_301 = arith.index_cast %swap3A_300 : i32 to index
        %swap3A_302 = arith.constant 0 : index
        %swap3A_303 = tpu.vector_load %arg8[%swap3A_301, %swap3A_302] {strides = array<i32>} : memref<2x128xi32, #tpu.memory_space<vmem>>, vector<1x16xi32>,
        %swap3A_304 = vector.shape_cast %swap3A_303 : vector<1x16xi32> to vector<16xi32>
        %swap3A_305 = vector.shape_cast %shift_right_logical3A_299 : vector<16xi32> to vector<1x16xi32>
        tpu.vector_store %arg8[%swap3A_301, %swap3A_302], %swap3A_305 {strides = array<i32>} : memref<2x128xi32, #tpu.memory_space<vmem>>, vector<1x16xi32>,
        %get3A_306 = arith.index_cast %add3A_283 : i32 to index
        %get3A_307 = arith.constant 16 : index
        %get3A_308 = tpu.vector_load %arg6[%get3A_306, %get3A_307] {strides = array<i32>} : memref<128x128xi32, #tpu.memory_space<vmem>>, vector<1x16xi32>,
        %get3A_309 = vector.shape_cast %get3A_308 : vector<1x16xi32> to vector<16xi32>
        %and3A_310 = arith.constant 65535 : i32
        %and3A_311 = vector.broadcast %and3A_310 : i32 to vector<16xi32>
        %and3A_312 = arith.andi %get3A_309, %and3A_311 : vector<16xi32>
        %swap3A_313 = arith.constant 1 : i32
        %swap3A_314 = arith.index_cast %swap3A_313 : i32 to index
        %swap3A_315 = arith.constant 16 : index
        %swap3A_316 = tpu.vector_load %arg7[%swap3A_314, %swap3A_315] {strides = array<i32>} : memref<2x128xi32, #tpu.memory_space<vmem>>, vector<1x16xi32>,
        %swap3A_317 = vector.shape_cast %swap3A_316 : vector<1x16xi32> to vector<16xi32>
        %swap3A_318 = vector.shape_cast %and3A_312 : vector<16xi32> to vector<1x16xi32>
        tpu.vector_store %arg7[%swap3A_314, %swap3A_315], %swap3A_318 {strides = array<i32>} : memref<2x128xi32, #tpu.memory_space<vmem>>, vector<1x16xi32>,
        %shift_right_logical3A_319 = arith.constant 16 : i32
        %shift_right_logical3A_320 = vector.broadcast %shift_right_logical3A_319 : i32 to vector<16xi32>
        %shift_right_logical3A_321 = arith.shrui %get3A_309, %shift_right_logical3A_320 : vector<16xi32>
        %swap3A_322 = arith.constant 1 : i32
        %swap3A_323 = arith.index_cast %swap3A_322 : i32 to index
        %swap3A_324 = arith.constant 16 : index
        %swap3A_325 = tpu.vector_load %arg8[%swap3A_323, %swap3A_324] {strides = array<i32>} : memref<2x128xi32, #tpu.memory_space<vmem>>, vector<1x16xi32>,
        %swap3A_326 = vector.shape_cast %swap3A_325 : vector<1x16xi32> to vector<16xi32>
        %swap3A_327 = vector.shape_cast %shift_right_logical3A_321 : vector<16xi32> to vector<1x16xi32>
        tpu.vector_store %arg8[%swap3A_323, %swap3A_324], %swap3A_327 {strides = array<i32>} : memref<2x128xi32, #tpu.memory_space<vmem>>, vector<1x16xi32>,
        %get3A_328 = arith.index_cast %add3A_283 : i32 to index
        %get3A_329 = arith.constant 32 : index
        %get3A_330 = tpu.vector_load %arg6[%get3A_328, %get3A_329] {strides = array<i32>} : memref<128x128xi32, #tpu.memory_space<vmem>>, vector<1x16xi32>,
        %get3A_331 = vector.shape_cast %get3A_330 : vector<1x16xi32> to vector<16xi32>
        %and3A_332 = arith.constant 65535 : i32
        %and3A_333 = vector.broadcast %and3A_332 : i32 to vector<16xi32>
        %and3A_334 = arith.andi %get3A_331, %and3A_333 : vector<16xi32>
        %swap3A_335 = arith.constant 1 : i32
        %swap3A_336 = arith.index_cast %swap3A_335 : i32 to index
        %swap3A_337 = arith.constant 32 : index
        %swap3A_338 = tpu.vector_load %arg7[%swap3A_336, %swap3A_337] {strides = array<i32>} : memref<2x128xi32, #tpu.memory_space<vmem>>, vector<1x16xi32>,
        %swap3A_339 = vector.shape_cast %swap3A_338 : vector<1x16xi32> to vector<16xi32>
        %swap3A_340 = vector.shape_cast %and3A_334 : vector<16xi32> to vector<1x16xi32>
        tpu.vector_store %arg7[%swap3A_336, %swap3A_337], %swap3A_340 {strides = array<i32>} : memref<2x128xi32, #tpu.memory_space<vmem>>, vector<1x16xi32>,
        %shift_right_logical3A_341 = arith.constant 16 : i32
        %shift_right_logical3A_342 = vector.broadcast %shift_right_logical3A_341 : i32 to vector<16xi32>
        %shift_right_logical3A_343 = arith.shrui %get3A_331, %shift_right_logical3A_342 : vector<16xi32>
        %swap3A_344 = arith.constant 1 : i32
        %swap3A_345 = arith.index_cast %swap3A_344 : i32 to index
        %swap3A_346 = arith.constant 32 : index
        %swap3A_347 = tpu.vector_load %arg8[%swap3A_345, %swap3A_346] {strides = array<i32>} : memref<2x128xi32, #tpu.memory_space<vmem>>, vector<1x16xi32>,
        %swap3A_348 = vector.shape_cast %swap3A_347 : vector<1x16xi32> to vector<16xi32>
        %swap3A_349 = vector.shape_cast %shift_right_logical3A_343 : vector<16xi32> to vector<1x16xi32>
        tpu.vector_store %arg8[%swap3A_345, %swap3A_346], %swap3A_349 {strides = array<i32>} : memref<2x128xi32, #tpu.memory_space<vmem>>, vector<1x16xi32>,
        %get3A_350 = arith.index_cast %add3A_283 : i32 to index
        %get3A_351 = arith.constant 48 : index
        %get3A_352 = tpu.vector_load %arg6[%get3A_350, %get3A_351] {strides = array<i32>} : memref<128x128xi32, #tpu.memory_space<vmem>>, vector<1x16xi32>,
        %get3A_353 = vector.shape_cast %get3A_352 : vector<1x16xi32> to vector<16xi32>
        %and3A_354 = arith.constant 65535 : i32
        %and3A_355 = vector.broadcast %and3A_354 : i32 to vector<16xi32>
        %and3A_356 = arith.andi %get3A_353, %and3A_355 : vector<16xi32>
        %swap3A_357 = arith.constant 1 : i32
        %swap3A_358 = arith.index_cast %swap3A_357 : i32 to index
        %swap3A_359 = arith.constant 48 : index
        %swap3A_360 = tpu.vector_load %arg7[%swap3A_358, %swap3A_359] {strides = array<i32>} : memref<2x128xi32, #tpu.memory_space<vmem>>, vector<1x16xi32>,
        %swap3A_361 = vector.shape_cast %swap3A_360 : vector<1x16xi32> to vector<16xi32>
        %swap3A_362 = vector.shape_cast %and3A_356 : vector<16xi32> to vector<1x16xi32>
        tpu.vector_store %arg7[%swap3A_358, %swap3A_359], %swap3A_362 {strides = array<i32>} : memref<2x128xi32, #tpu.memory_space<vmem>>, vector<1x16xi32>,
        %shift_right_logical3A_363 = arith.constant 16 : i32
        %shift_right_logical3A_364 = vector.broadcast %shift_right_logical3A_363 : i32 to vector<16xi32>
        %shift_right_logical3A_365 = arith.shrui %get3A_353, %shift_right_logical3A_364 : vector<16xi32>
        %swap3A_366 = arith.constant 1 : i32
        %swap3A_367 = arith.index_cast %swap3A_366 : i32 to index
        %swap3A_368 = arith.constant 48 : index
        %swap3A_369 = tpu.vector_load %arg8[%swap3A_367, %swap3A_368] {strides = array<i32>} : memref<2x128xi32, #tpu.memory_space<vmem>>, vector<1x16xi32>,
        %swap3A_370 = vector.shape_cast %swap3A_369 : vector<1x16xi32> to vector<16xi32>
        %swap3A_371 = vector.shape_cast %shift_right_logical3A_365 : vector<16xi32> to vector<1x16xi32>
        tpu.vector_store %arg8[%swap3A_367, %swap3A_368], %swap3A_371 {strides = array<i32>} : memref<2x128xi32, #tpu.memory_space<vmem>>, vector<1x16xi32>,
        %get3A_372 = arith.index_cast %add3A_283 : i32 to index
        %get3A_373 = arith.constant 64 : index
        %get3A_374 = tpu.vector_load %arg6[%get3A_372, %get3A_373] {strides = array<i32>} : memref<128x128xi32, #tpu.memory_space<vmem>>, vector<1x16xi32>,
        %get3A_375 = vector.shape_cast %get3A_374 : vector<1x16xi32> to vector<16xi32>
        %and3A_376 = arith.constant 65535 : i32
        %and3A_377 = vector.broadcast %and3A_376 : i32 to vector<16xi32>
        %and3A_378 = arith.andi %get3A_375, %and3A_377 : vector<16xi32>
        %swap3A_379 = arith.constant 1 : i32
        %swap3A_380 = arith.index_cast %swap3A_379 : i32 to index
        %swap3A_381 = arith.constant 64 : index
        %swap3A_382 = tpu.vector_load %arg7[%swap3A_380, %swap3A_381] {strides = array<i32>} : memref<2x128xi32, #tpu.memory_space<vmem>>, vector<1x16xi32>,
        %swap3A_383 = vector.shape_cast %swap3A_382 : vector<1x16xi32> to vector<16xi32>
        %swap3A_384 = vector.shape_cast %and3A_378 : vector<16xi32> to vector<1x16xi32>
        tpu.vector_store %arg7[%swap3A_380, %swap3A_381], %swap3A_384 {strides = array<i32>} : memref<2x128xi32, #tpu.memory_space<vmem>>, vector<1x16xi32>,
        %shift_right_logical3A_385 = arith.constant 16 : i32
        %shift_right_logical3A_386 = vector.broadcast %shift_right_logical3A_385 : i32 to vector<16xi32>
        %shift_right_logical3A_387 = arith.shrui %get3A_375, %shift_right_logical3A_386 : vector<16xi32>
        %swap3A_388 = arith.constant 1 : i32
        %swap3A_389 = arith.index_cast %swap3A_388 : i32 to index
        %swap3A_390 = arith.constant 64 : index
        %swap3A_391 = tpu.vector_load %arg8[%swap3A_389, %swap3A_390] {strides = array<i32>} : memref<2x128xi32, #tpu.memory_space<vmem>>, vector<1x16xi32>,
        %swap3A_392 = vector.shape_cast %swap3A_391 : vector<1x16xi32> to vector<16xi32>
        %swap3A_393 = vector.shape_cast %shift_right_logical3A_387 : vector<16xi32> to vector<1x16xi32>
        tpu.vector_store %arg8[%swap3A_389, %swap3A_390], %swap3A_393 {strides = array<i32>} : memref<2x128xi32, #tpu.memory_space<vmem>>, vector<1x16xi32>,
        %get3A_394 = arith.index_cast %add3A_283 : i32 to index
        %get3A_395 = arith.constant 80 : index
        %get3A_396 = tpu.vector_load %arg6[%get3A_394, %get3A_395] {strides = array<i32>} : memref<128x128xi32, #tpu.memory_space<vmem>>, vector<1x16xi32>,
        %get3A_397 = vector.shape_cast %get3A_396 : vector<1x16xi32> to vector<16xi32>
        %and3A_398 = arith.constant 65535 : i32
        %and3A_399 = vector.broadcast %and3A_398 : i32 to vector<16xi32>
        %and3A_400 = arith.andi %get3A_397, %and3A_399 : vector<16xi32>
        %swap3A_401 = arith.constant 1 : i32
        %swap3A_402 = arith.index_cast %swap3A_401 : i32 to index
        %swap3A_403 = arith.constant 80 : index
        %swap3A_404 = tpu.vector_load %arg7[%swap3A_402, %swap3A_403] {strides = array<i32>} : memref<2x128xi32, #tpu.memory_space<vmem>>, vector<1x16xi32>,
        %swap3A_405 = vector.shape_cast %swap3A_404 : vector<1x16xi32> to vector<16xi32>
        %swap3A_406 = vector.shape_cast %and3A_400 : vector<16xi32> to vector<1x16xi32>
        tpu.vector_store %arg7[%swap3A_402, %swap3A_403], %swap3A_406 {strides = array<i32>} : memref<2x128xi32, #tpu.memory_space<vmem>>, vector<1x16xi32>,
        %shift_right_logical3A_407 = arith.constant 16 : i32
        %shift_right_logical3A_408 = vector.broadcast %shift_right_logical3A_407 : i32 to vector<16xi32>
        %shift_right_logical3A_409 = arith.shrui %get3A_397, %shift_right_logical3A_408 : vector<16xi32>
        %swap3A_410 = arith.constant 1 : i32
        %swap3A_411 = arith.index_cast %swap3A_410 : i32 to index
        %swap3A_412 = arith.constant 80 : index
        %swap3A_413 = tpu.vector_load %arg8[%swap3A_411, %swap3A_412] {strides = array<i32>} : memref<2x128xi32, #tpu.memory_space<vmem>>, vector<1x16xi32>,
        %swap3A_414 = vector.shape_cast %swap3A_413 : vector<1x16xi32> to vector<16xi32>
        %swap3A_415 = vector.shape_cast %shift_right_logical3A_409 : vector<16xi32> to vector<1x16xi32>
        tpu.vector_store %arg8[%swap3A_411, %swap3A_412], %swap3A_415 {strides = array<i32>} : memref<2x128xi32, #tpu.memory_space<vmem>>, vector<1x16xi32>,
        %get3A_416 = arith.index_cast %add3A_283 : i32 to index
        %get3A_417 = arith.constant 96 : index
        %get3A_418 = tpu.vector_load %arg6[%get3A_416, %get3A_417] {strides = array<i32>} : memref<128x128xi32, #tpu.memory_space<vmem>>, vector<1x16xi32>,
        %get3A_419 = vector.shape_cast %get3A_418 : vector<1x16xi32> to vector<16xi32>
        %and3A_420 = arith.constant 65535 : i32
        %and3A_421 = vector.broadcast %and3A_420 : i32 to vector<16xi32>
        %and3A_422 = arith.andi %get3A_419, %and3A_421 : vector<16xi32>
        %swap3A_423 = arith.constant 1 : i32
        %swap3A_424 = arith.index_cast %swap3A_423 : i32 to index
        %swap3A_425 = arith.constant 96 : index
        %swap3A_426 = tpu.vector_load %arg7[%swap3A_424, %swap3A_425] {strides = array<i32>} : memref<2x128xi32, #tpu.memory_space<vmem>>, vector<1x16xi32>,
        %swap3A_427 = vector.shape_cast %swap3A_426 : vector<1x16xi32> to vector<16xi32>
        %swap3A_428 = vector.shape_cast %and3A_422 : vector<16xi32> to vector<1x16xi32>
        tpu.vector_store %arg7[%swap3A_424, %swap3A_425], %swap3A_428 {strides = array<i32>} : memref<2x128xi32, #tpu.memory_space<vmem>>, vector<1x16xi32>,
        %shift_right_logical3A_429 = arith.constant 16 : i32
        %shift_right_logical3A_430 = vector.broadcast %shift_right_logical3A_429 : i32 to vector<16xi32>
        %shift_right_logical3A_431 = arith.shrui %get3A_419, %shift_right_logical3A_430 : vector<16xi32>
        %swap3A_432 = arith.constant 1 : i32
        %swap3A_433 = arith.index_cast %swap3A_432 : i32 to index
        %swap3A_434 = arith.constant 96 : index
        %swap3A_435 = tpu.vector_load %arg8[%swap3A_433, %swap3A_434] {strides = array<i32>} : memref<2x128xi32, #tpu.memory_space<vmem>>, vector<1x16xi32>,
        %swap3A_436 = vector.shape_cast %swap3A_435 : vector<1x16xi32> to vector<16xi32>
        %swap3A_437 = vector.shape_cast %shift_right_logical3A_431 : vector<16xi32> to vector<1x16xi32>
        tpu.vector_store %arg8[%swap3A_433, %swap3A_434], %swap3A_437 {strides = array<i32>} : memref<2x128xi32, #tpu.memory_space<vmem>>, vector<1x16xi32>,
        %get3A_438 = arith.index_cast %add3A_283 : i32 to index
        %get3A_439 = arith.constant 112 : index
        %get3A_440 = tpu.vector_load %arg6[%get3A_438, %get3A_439] {strides = array<i32>} : memref<128x128xi32, #tpu.memory_space<vmem>>, vector<1x16xi32>,
        %get3A_441 = vector.shape_cast %get3A_440 : vector<1x16xi32> to vector<16xi32>
        %and3A_442 = arith.constant 65535 : i32
        %and3A_443 = vector.broadcast %and3A_442 : i32 to vector<16xi32>
        %and3A_444 = arith.andi %get3A_441, %and3A_443 : vector<16xi32>
        %swap3A_445 = arith.constant 1 : i32
        %swap3A_446 = arith.index_cast %swap3A_445 : i32 to index
        %swap3A_447 = arith.constant 112 : index
        %swap3A_448 = tpu.vector_load %arg7[%swap3A_446, %swap3A_447] {strides = array<i32>} : memref<2x128xi32, #tpu.memory_space<vmem>>, vector<1x16xi32>,
        %swap3A_449 = vector.shape_cast %swap3A_448 : vector<1x16xi32> to vector<16xi32>
        %swap3A_450 = vector.shape_cast %and3A_444 : vector<16xi32> to vector<1x16xi32>
        tpu.vector_store %arg7[%swap3A_446, %swap3A_447], %swap3A_450 {strides = array<i32>} : memref<2x128xi32, #tpu.memory_space<vmem>>, vector<1x16xi32>,
        %shift_right_logical3A_451 = arith.constant 16 : i32
        %shift_right_logical3A_452 = vector.broadcast %shift_right_logical3A_451 : i32 to vector<16xi32>
        %shift_right_logical3A_453 = arith.shrui %get3A_441, %shift_right_logical3A_452 : vector<16xi32>
        %swap3A_454 = arith.constant 1 : i32
        %swap3A_455 = arith.index_cast %swap3A_454 : i32 to index
        %swap3A_456 = arith.constant 112 : index
        %swap3A_457 = tpu.vector_load %arg8[%swap3A_455, %swap3A_456] {strides = array<i32>} : memref<2x128xi32, #tpu.memory_space<vmem>>, vector<1x16xi32>,
        %swap3A_458 = vector.shape_cast %swap3A_457 : vector<1x16xi32> to vector<16xi32>
        %swap3A_459 = vector.shape_cast %shift_right_logical3A_453 : vector<16xi32> to vector<1x16xi32>
        tpu.vector_store %arg8[%swap3A_455, %swap3A_456], %swap3A_459 {strides = array<i32>} : memref<2x128xi32, #tpu.memory_space<vmem>>, vector<1x16xi32>,
        %dma_start3A_460 = arith.constant 1 : i32
        %dma_start3A_461 = arith.constant 0 : i32
        %dma_start3A_462 = tpu.memref_slice %arg7[%dma_start3A_460, %dma_start3A_461] : memref<2x128xi32, #tpu.memory_space<vmem>> -> memref<1x128xi32, #tpu.memory_space<vmem>>
        %dma_start3A_463 = tpu.memref_squeeze %dma_start3A_462 : memref<1x128xi32, #tpu.memory_space<vmem>> -> memref<128xi32, #tpu.memory_space<vmem>>
        %dma_start3A_464 = arith.constant 0 : i32
        %dma_start3A_465 = arith.constant 0 : i32
        %dma_start3A_466 = tpu.memref_slice %arg2[%dma_start3A_464, %dma_start3A_465] : memref<10000x128xf32, #tpu.memory_space<hbm>> -> memref<10000x128xf32, #tpu.memory_space<hbm>>
        tpu.enqueue_indirect_dma source(%dma_start3A_466 : memref<10000x128xf32, #tpu.memory_space<hbm>>) target(%arg10 : memref<128x128xf32, #tpu.memory_space<vmem>>) offsets(%dma_start3A_463 : memref<128xi32, #tpu.memory_space<vmem>>) semaphore(%arg13 : memref<!tpu.dma_semaphore, #tpu.memory_space<semaphore_mem>>)
        %dma_wait3A_467 = arith.constant 1 : i32
        %dma_wait3A_468 = arith.constant 0 : i32
        %dma_wait3A_469 = tpu.memref_slice %arg7[%dma_wait3A_467, %dma_wait3A_468] : memref<2x128xi32, #tpu.memory_space<vmem>> -> memref<1x128xi32, #tpu.memory_space<vmem>>
        %dma_wait3A_470 = tpu.memref_squeeze %dma_wait3A_469 : memref<1x128xi32, #tpu.memory_space<vmem>> -> memref<128xi32, #tpu.memory_space<vmem>>
        %dma_wait3A_471 = arith.constant 0 : i32
        %dma_wait3A_472 = arith.constant 0 : i32
        %dma_wait3A_473 = tpu.memref_slice %arg2[%dma_wait3A_471, %dma_wait3A_472] : memref<10000x128xf32, #tpu.memory_space<hbm>> -> memref<10000x128xf32, #tpu.memory_space<hbm>>
        tpu.wait_indirect_dma semaphore(%arg13 : memref<!tpu.dma_semaphore, #tpu.memory_space<semaphore_mem>>) src(%dma_wait3A_473 : memref<10000x128xf32, #tpu.memory_space<hbm>>) dst(%arg10 : memref<128x128xf32, #tpu.memory_space<vmem>>)
        %dma_start3A_474 = arith.constant 1 : i32
        %dma_start3A_475 = arith.constant 0 : i32
        %dma_start3A_476 = tpu.memref_slice %arg8[%dma_start3A_474, %dma_start3A_475] : memref<2x128xi32, #tpu.memory_space<vmem>> -> memref<1x128xi32, #tpu.memory_space<vmem>>
        %dma_start3A_477 = tpu.memref_squeeze %dma_start3A_476 : memref<1x128xi32, #tpu.memory_space<vmem>> -> memref<128xi32, #tpu.memory_space<vmem>>
        %dma_start3A_478 = arith.constant 0 : i32
        %dma_start3A_479 = arith.constant 0 : i32
        %dma_start3A_480 = tpu.memref_slice %arg11[%dma_start3A_478, %dma_start3A_479] : memref<10112x128xf32, #tpu.memory_space<vmem_shared>> -> memref<10112x128xf32, #tpu.memory_space<vmem_shared>>
        tpu.enqueue_indirect_dma source(%arg10 : memref<128x128xf32, #tpu.memory_space<vmem>>) target(%dma_start3A_480 : memref<10112x128xf32, #tpu.memory_space<vmem_shared>>) offsets(%dma_start3A_477 : memref<128xi32, #tpu.memory_space<vmem>>) semaphore(%arg15 : memref<!tpu.dma_semaphore, #tpu.memory_space<semaphore_mem>>) {add = true}
        %dma_wait3A_481 = arith.constant 0 : i32
        %dma_wait3A_482 = arith.constant 0 : i32
        %dma_wait3A_483 = tpu.memref_slice %arg8[%dma_wait3A_481, %dma_wait3A_482] : memref<2x128xi32, #tpu.memory_space<vmem>> -> memref<1x128xi32, #tpu.memory_space<vmem>>
        %dma_wait3A_484 = tpu.memref_squeeze %dma_wait3A_483 : memref<1x128xi32, #tpu.memory_space<vmem>> -> memref<128xi32, #tpu.memory_space<vmem>>
        %dma_wait3A_485 = arith.constant 0 : i32
        %dma_wait3A_486 = arith.constant 0 : i32
        %dma_wait3A_487 = tpu.memref_slice %arg11[%dma_wait3A_485, %dma_wait3A_486] : memref<10112x128xf32, #tpu.memory_space<vmem_shared>> -> memref<10112x128xf32, #tpu.memory_space<vmem_shared>>
        tpu.wait_indirect_dma semaphore(%arg14 : memref<!tpu.dma_semaphore, #tpu.memory_space<semaphore_mem>>) src(%arg9 : memref<128x128xf32, #tpu.memory_space<vmem>>) dst(%dma_wait3A_487 : memref<10112x128xf32, #tpu.memory_space<vmem_shared>>)
        %sub3A_488 = arith.constant 1 : i32
        %sub3A_489 = arith.subi %select_n3A_42, %sub3A_488 : i32
        %lt3A = arith.cmpi slt, %while3A_260, %sub3A_489 : i32
        %convert_element_type3A_490 = arith.extui %lt3A : i1 to i32
        %cond3A_491 = arith.constant 0 : i32
        %cond3A_492 = arith.cmpi ne, %convert_element_type3A_490, %cond3A_491 : i32
        scf.if %cond3A_492 {
          %mul3A_493 = arith.constant 2 : i32
          %mul3A_494 = arith.muli %mul3A_493, %while3A_260 : i32
          %add3A_495 = arith.constant 2 : i32
          %add3A_496 = arith.addi %mul3A_494, %add3A_495 : i32
          %get3A_497 = arith.index_cast %add3A_496 : i32 to index
          %get3A_498 = arith.constant 0 : index
          %get3A_499 = tpu.vector_load %arg6[%get3A_497, %get3A_498] {strides = array<i32>} : memref<128x128xi32, #tpu.memory_space<vmem>>, vector<1x16xi32>,
          %get3A_500 = vector.shape_cast %get3A_499 : vector<1x16xi32> to vector<16xi32>
          %and3A_501 = arith.constant 65535 : i32
          %and3A_502 = vector.broadcast %and3A_501 : i32 to vector<16xi32>
          %and3A_503 = arith.andi %get3A_500, %and3A_502 : vector<16xi32>
          %swap3A_504 = arith.constant 0 : i32
          %swap3A_505 = arith.index_cast %swap3A_504 : i32 to index
          %swap3A_506 = arith.constant 0 : index
          %swap3A_507 = tpu.vector_load %arg7[%swap3A_505, %swap3A_506] {strides = array<i32>} : memref<2x128xi32, #tpu.memory_space<vmem>>, vector<1x16xi32>,
          %swap3A_508 = vector.shape_cast %swap3A_507 : vector<1x16xi32> to vector<16xi32>
          %swap3A_509 = vector.shape_cast %and3A_503 : vector<16xi32> to vector<1x16xi32>
          tpu.vector_store %arg7[%swap3A_505, %swap3A_506], %swap3A_509 {strides = array<i32>} : memref<2x128xi32, #tpu.memory_space<vmem>>, vector<1x16xi32>,
          %shift_right_logical3A_510 = arith.constant 16 : i32
          %shift_right_logical3A_511 = vector.broadcast %shift_right_logical3A_510 : i32 to vector<16xi32>
          %shift_right_logical3A_512 = arith.shrui %get3A_500, %shift_right_logical3A_511 : vector<16xi32>
          %swap3A_513 = arith.constant 0 : i32
          %swap3A_514 = arith.index_cast %swap3A_513 : i32 to index
          %swap3A_515 = arith.constant 0 : index
          %swap3A_516 = tpu.vector_load %arg8[%swap3A_514, %swap3A_515] {strides = array<i32>} : memref<2x128xi32, #tpu.memory_space<vmem>>, vector<1x16xi32>,
          %swap3A_517 = vector.shape_cast %swap3A_516 : vector<1x16xi32> to vector<16xi32>
          %swap3A_518 = vector.shape_cast %shift_right_logical3A_512 : vector<16xi32> to vector<1x16xi32>
          tpu.vector_store %arg8[%swap3A_514, %swap3A_515], %swap3A_518 {strides = array<i32>} : memref<2x128xi32, #tpu.memory_space<vmem>>, vector<1x16xi32>,
          %get3A_519 = arith.index_cast %add3A_496 : i32 to index
          %get3A_520 = arith.constant 16 : index
          %get3A_521 = tpu.vector_load %arg6[%get3A_519, %get3A_520] {strides = array<i32>} : memref<128x128xi32, #tpu.memory_space<vmem>>, vector<1x16xi32>,
          %get3A_522 = vector.shape_cast %get3A_521 : vector<1x16xi32> to vector<16xi32>
          %and3A_523 = arith.constant 65535 : i32
          %and3A_524 = vector.broadcast %and3A_523 : i32 to vector<16xi32>
          %and3A_525 = arith.andi %get3A_522, %and3A_524 : vector<16xi32>
          %swap3A_526 = arith.constant 0 : i32
          %swap3A_527 = arith.index_cast %swap3A_526 : i32 to index
          %swap3A_528 = arith.constant 16 : index
          %swap3A_529 = tpu.vector_load %arg7[%swap3A_527, %swap3A_528] {strides = array<i32>} : memref<2x128xi32, #tpu.memory_space<vmem>>, vector<1x16xi32>,
          %swap3A_530 = vector.shape_cast %swap3A_529 : vector<1x16xi32> to vector<16xi32>
          %swap3A_531 = vector.shape_cast %and3A_525 : vector<16xi32> to vector<1x16xi32>
          tpu.vector_store %arg7[%swap3A_527, %swap3A_528], %swap3A_531 {strides = array<i32>} : memref<2x128xi32, #tpu.memory_space<vmem>>, vector<1x16xi32>,
          %shift_right_logical3A_532 = arith.constant 16 : i32
          %shift_right_logical3A_533 = vector.broadcast %shift_right_logical3A_532 : i32 to vector<16xi32>
          %shift_right_logical3A_534 = arith.shrui %get3A_522, %shift_right_logical3A_533 : vector<16xi32>
          %swap3A_535 = arith.constant 0 : i32
          %swap3A_536 = arith.index_cast %swap3A_535 : i32 to index
          %swap3A_537 = arith.constant 16 : index
          %swap3A_538 = tpu.vector_load %arg8[%swap3A_536, %swap3A_537] {strides = array<i32>} : memref<2x128xi32, #tpu.memory_space<vmem>>, vector<1x16xi32>,
          %swap3A_539 = vector.shape_cast %swap3A_538 : vector<1x16xi32> to vector<16xi32>
          %swap3A_540 = vector.shape_cast %shift_right_logical3A_534 : vector<16xi32> to vector<1x16xi32>
          tpu.vector_store %arg8[%swap3A_536, %swap3A_537], %swap3A_540 {strides = array<i32>} : memref<2x128xi32, #tpu.memory_space<vmem>>, vector<1x16xi32>,
          %get3A_541 = arith.index_cast %add3A_496 : i32 to index
          %get3A_542 = arith.constant 32 : index
          %get3A_543 = tpu.vector_load %arg6[%get3A_541, %get3A_542] {strides = array<i32>} : memref<128x128xi32, #tpu.memory_space<vmem>>, vector<1x16xi32>,
          %get3A_544 = vector.shape_cast %get3A_543 : vector<1x16xi32> to vector<16xi32>
          %and3A_545 = arith.constant 65535 : i32
          %and3A_546 = vector.broadcast %and3A_545 : i32 to vector<16xi32>
          %and3A_547 = arith.andi %get3A_544, %and3A_546 : vector<16xi32>
          %swap3A_548 = arith.constant 0 : i32
          %swap3A_549 = arith.index_cast %swap3A_548 : i32 to index
          %swap3A_550 = arith.constant 32 : index
          %swap3A_551 = tpu.vector_load %arg7[%swap3A_549, %swap3A_550] {strides = array<i32>} : memref<2x128xi32, #tpu.memory_space<vmem>>, vector<1x16xi32>,
          %swap3A_552 = vector.shape_cast %swap3A_551 : vector<1x16xi32> to vector<16xi32>
          %swap3A_553 = vector.shape_cast %and3A_547 : vector<16xi32> to vector<1x16xi32>
          tpu.vector_store %arg7[%swap3A_549, %swap3A_550], %swap3A_553 {strides = array<i32>} : memref<2x128xi32, #tpu.memory_space<vmem>>, vector<1x16xi32>,
          %shift_right_logical3A_554 = arith.constant 16 : i32
          %shift_right_logical3A_555 = vector.broadcast %shift_right_logical3A_554 : i32 to vector<16xi32>
          %shift_right_logical3A_556 = arith.shrui %get3A_544, %shift_right_logical3A_555 : vector<16xi32>
          %swap3A_557 = arith.constant 0 : i32
          %swap3A_558 = arith.index_cast %swap3A_557 : i32 to index
          %swap3A_559 = arith.constant 32 : index
          %swap3A_560 = tpu.vector_load %arg8[%swap3A_558, %swap3A_559] {strides = array<i32>} : memref<2x128xi32, #tpu.memory_space<vmem>>, vector<1x16xi32>,
          %swap3A_561 = vector.shape_cast %swap3A_560 : vector<1x16xi32> to vector<16xi32>
          %swap3A_562 = vector.shape_cast %shift_right_logical3A_556 : vector<16xi32> to vector<1x16xi32>
          tpu.vector_store %arg8[%swap3A_558, %swap3A_559], %swap3A_562 {strides = array<i32>} : memref<2x128xi32, #tpu.memory_space<vmem>>, vector<1x16xi32>,
          %get3A_563 = arith.index_cast %add3A_496 : i32 to index
          %get3A_564 = arith.constant 48 : index
          %get3A_565 = tpu.vector_load %arg6[%get3A_563, %get3A_564] {strides = array<i32>} : memref<128x128xi32, #tpu.memory_space<vmem>>, vector<1x16xi32>,
          %get3A_566 = vector.shape_cast %get3A_565 : vector<1x16xi32> to vector<16xi32>
          %and3A_567 = arith.constant 65535 : i32
          %and3A_568 = vector.broadcast %and3A_567 : i32 to vector<16xi32>
          %and3A_569 = arith.andi %get3A_566, %and3A_568 : vector<16xi32>
          %swap3A_570 = arith.constant 0 : i32
          %swap3A_571 = arith.index_cast %swap3A_570 : i32 to index
          %swap3A_572 = arith.constant 48 : index
          %swap3A_573 = tpu.vector_load %arg7[%swap3A_571, %swap3A_572] {strides = array<i32>} : memref<2x128xi32, #tpu.memory_space<vmem>>, vector<1x16xi32>,
          %swap3A_574 = vector.shape_cast %swap3A_573 : vector<1x16xi32> to vector<16xi32>
          %swap3A_575 = vector.shape_cast %and3A_569 : vector<16xi32> to vector<1x16xi32>
          tpu.vector_store %arg7[%swap3A_571, %swap3A_572], %swap3A_575 {strides = array<i32>} : memref<2x128xi32, #tpu.memory_space<vmem>>, vector<1x16xi32>,
          %shift_right_logical3A_576 = arith.constant 16 : i32
          %shift_right_logical3A_577 = vector.broadcast %shift_right_logical3A_576 : i32 to vector<16xi32>
          %shift_right_logical3A_578 = arith.shrui %get3A_566, %shift_right_logical3A_577 : vector<16xi32>
          %swap3A_579 = arith.constant 0 : i32
          %swap3A_580 = arith.index_cast %swap3A_579 : i32 to index
          %swap3A_581 = arith.constant 48 : index
          %swap3A_582 = tpu.vector_load %arg8[%swap3A_580, %swap3A_581] {strides = array<i32>} : memref<2x128xi32, #tpu.memory_space<vmem>>, vector<1x16xi32>,
          %swap3A_583 = vector.shape_cast %swap3A_582 : vector<1x16xi32> to vector<16xi32>
          %swap3A_584 = vector.shape_cast %shift_right_logical3A_578 : vector<16xi32> to vector<1x16xi32>
          tpu.vector_store %arg8[%swap3A_580, %swap3A_581], %swap3A_584 {strides = array<i32>} : memref<2x128xi32, #tpu.memory_space<vmem>>, vector<1x16xi32>,
          %get3A_585 = arith.index_cast %add3A_496 : i32 to index
          %get3A_586 = arith.constant 64 : index
          %get3A_587 = tpu.vector_load %arg6[%get3A_585, %get3A_586] {strides = array<i32>} : memref<128x128xi32, #tpu.memory_space<vmem>>, vector<1x16xi32>,
          %get3A_588 = vector.shape_cast %get3A_587 : vector<1x16xi32> to vector<16xi32>
          %and3A_589 = arith.constant 65535 : i32
          %and3A_590 = vector.broadcast %and3A_589 : i32 to vector<16xi32>
          %and3A_591 = arith.andi %get3A_588, %and3A_590 : vector<16xi32>
          %swap3A_592 = arith.constant 0 : i32
          %swap3A_593 = arith.index_cast %swap3A_592 : i32 to index
          %swap3A_594 = arith.constant 64 : index
          %swap3A_595 = tpu.vector_load %arg7[%swap3A_593, %swap3A_594] {strides = array<i32>} : memref<2x128xi32, #tpu.memory_space<vmem>>, vector<1x16xi32>,
          %swap3A_596 = vector.shape_cast %swap3A_595 : vector<1x16xi32> to vector<16xi32>
          %swap3A_597 = vector.shape_cast %and3A_591 : vector<16xi32> to vector<1x16xi32>
          tpu.vector_store %arg7[%swap3A_593, %swap3A_594], %swap3A_597 {strides = array<i32>} : memref<2x128xi32, #tpu.memory_space<vmem>>, vector<1x16xi32>,
          %shift_right_logical3A_598 = arith.constant 16 : i32
          %shift_right_logical3A_599 = vector.broadcast %shift_right_logical3A_598 : i32 to vector<16xi32>
          %shift_right_logical3A_600 = arith.shrui %get3A_588, %shift_right_logical3A_599 : vector<16xi32>
          %swap3A_601 = arith.constant 0 : i32
          %swap3A_602 = arith.index_cast %swap3A_601 : i32 to index
          %swap3A_603 = arith.constant 64 : index
          %swap3A_604 = tpu.vector_load %arg8[%swap3A_602, %swap3A_603] {strides = array<i32>} : memref<2x128xi32, #tpu.memory_space<vmem>>, vector<1x16xi32>,
          %swap3A_605 = vector.shape_cast %swap3A_604 : vector<1x16xi32> to vector<16xi32>
          %swap3A_606 = vector.shape_cast %shift_right_logical3A_600 : vector<16xi32> to vector<1x16xi32>
          tpu.vector_store %arg8[%swap3A_602, %swap3A_603], %swap3A_606 {strides = array<i32>} : memref<2x128xi32, #tpu.memory_space<vmem>>, vector<1x16xi32>,
          %get3A_607 = arith.index_cast %add3A_496 : i32 to index
          %get3A_608 = arith.constant 80 : index
          %get3A_609 = tpu.vector_load %arg6[%get3A_607, %get3A_608] {strides = array<i32>} : memref<128x128xi32, #tpu.memory_space<vmem>>, vector<1x16xi32>,
          %get3A_610 = vector.shape_cast %get3A_609 : vector<1x16xi32> to vector<16xi32>
          %and3A_611 = arith.constant 65535 : i32
          %and3A_612 = vector.broadcast %and3A_611 : i32 to vector<16xi32>
          %and3A_613 = arith.andi %get3A_610, %and3A_612 : vector<16xi32>
          %swap3A_614 = arith.constant 0 : i32
          %swap3A_615 = arith.index_cast %swap3A_614 : i32 to index
          %swap3A_616 = arith.constant 80 : index
          %swap3A_617 = tpu.vector_load %arg7[%swap3A_615, %swap3A_616] {strides = array<i32>} : memref<2x128xi32, #tpu.memory_space<vmem>>, vector<1x16xi32>,
          %swap3A_618 = vector.shape_cast %swap3A_617 : vector<1x16xi32> to vector<16xi32>
          %swap3A_619 = vector.shape_cast %and3A_613 : vector<16xi32> to vector<1x16xi32>
          tpu.vector_store %arg7[%swap3A_615, %swap3A_616], %swap3A_619 {strides = array<i32>} : memref<2x128xi32, #tpu.memory_space<vmem>>, vector<1x16xi32>,
          %shift_right_logical3A_620 = arith.constant 16 : i32
          %shift_right_logical3A_621 = vector.broadcast %shift_right_logical3A_620 : i32 to vector<16xi32>
          %shift_right_logical3A_622 = arith.shrui %get3A_610, %shift_right_logical3A_621 : vector<16xi32>
          %swap3A_623 = arith.constant 0 : i32
          %swap3A_624 = arith.index_cast %swap3A_623 : i32 to index
          %swap3A_625 = arith.constant 80 : index
          %swap3A_626 = tpu.vector_load %arg8[%swap3A_624, %swap3A_625] {strides = array<i32>} : memref<2x128xi32, #tpu.memory_space<vmem>>, vector<1x16xi32>,
          %swap3A_627 = vector.shape_cast %swap3A_626 : vector<1x16xi32> to vector<16xi32>
          %swap3A_628 = vector.shape_cast %shift_right_logical3A_622 : vector<16xi32> to vector<1x16xi32>
          tpu.vector_store %arg8[%swap3A_624, %swap3A_625], %swap3A_628 {strides = array<i32>} : memref<2x128xi32, #tpu.memory_space<vmem>>, vector<1x16xi32>,
          %get3A_629 = arith.index_cast %add3A_496 : i32 to index
          %get3A_630 = arith.constant 96 : index
          %get3A_631 = tpu.vector_load %arg6[%get3A_629, %get3A_630] {strides = array<i32>} : memref<128x128xi32, #tpu.memory_space<vmem>>, vector<1x16xi32>,
          %get3A_632 = vector.shape_cast %get3A_631 : vector<1x16xi32> to vector<16xi32>
          %and3A_633 = arith.constant 65535 : i32
          %and3A_634 = vector.broadcast %and3A_633 : i32 to vector<16xi32>
          %and3A_635 = arith.andi %get3A_632, %and3A_634 : vector<16xi32>
          %swap3A_636 = arith.constant 0 : i32
          %swap3A_637 = arith.index_cast %swap3A_636 : i32 to index
          %swap3A_638 = arith.constant 96 : index
          %swap3A_639 = tpu.vector_load %arg7[%swap3A_637, %swap3A_638] {strides = array<i32>} : memref<2x128xi32, #tpu.memory_space<vmem>>, vector<1x16xi32>,
          %swap3A_640 = vector.shape_cast %swap3A_639 : vector<1x16xi32> to vector<16xi32>
          %swap3A_641 = vector.shape_cast %and3A_635 : vector<16xi32> to vector<1x16xi32>
          tpu.vector_store %arg7[%swap3A_637, %swap3A_638], %swap3A_641 {strides = array<i32>} : memref<2x128xi32, #tpu.memory_space<vmem>>, vector<1x16xi32>,
          %shift_right_logical3A_642 = arith.constant 16 : i32
          %shift_right_logical3A_643 = vector.broadcast %shift_right_logical3A_642 : i32 to vector<16xi32>
          %shift_right_logical3A_644 = arith.shrui %get3A_632, %shift_right_logical3A_643 : vector<16xi32>
          %swap3A_645 = arith.constant 0 : i32
          %swap3A_646 = arith.index_cast %swap3A_645 : i32 to index
          %swap3A_647 = arith.constant 96 : index
          %swap3A_648 = tpu.vector_load %arg8[%swap3A_646, %swap3A_647] {strides = array<i32>} : memref<2x128xi32, #tpu.memory_space<vmem>>, vector<1x16xi32>,
          %swap3A_649 = vector.shape_cast %swap3A_648 : vector<1x16xi32> to vector<16xi32>
          %swap3A_650 = vector.shape_cast %shift_right_logical3A_644 : vector<16xi32> to vector<1x16xi32>
          tpu.vector_store %arg8[%swap3A_646, %swap3A_647], %swap3A_650 {strides = array<i32>} : memref<2x128xi32, #tpu.memory_space<vmem>>, vector<1x16xi32>,
          %get3A_651 = arith.index_cast %add3A_496 : i32 to index
          %get3A_652 = arith.constant 112 : index
          %get3A_653 = tpu.vector_load %arg6[%get3A_651, %get3A_652] {strides = array<i32>} : memref<128x128xi32, #tpu.memory_space<vmem>>, vector<1x16xi32>,
          %get3A_654 = vector.shape_cast %get3A_653 : vector<1x16xi32> to vector<16xi32>
          %and3A_655 = arith.constant 65535 : i32
          %and3A_656 = vector.broadcast %and3A_655 : i32 to vector<16xi32>
          %and3A_657 = arith.andi %get3A_654, %and3A_656 : vector<16xi32>
          %swap3A_658 = arith.constant 0 : i32
          %swap3A_659 = arith.index_cast %swap3A_658 : i32 to index
          %swap3A_660 = arith.constant 112 : index
          %swap3A_661 = tpu.vector_load %arg7[%swap3A_659, %swap3A_660] {strides = array<i32>} : memref<2x128xi32, #tpu.memory_space<vmem>>, vector<1x16xi32>,
          %swap3A_662 = vector.shape_cast %swap3A_661 : vector<1x16xi32> to vector<16xi32>
          %swap3A_663 = vector.shape_cast %and3A_657 : vector<16xi32> to vector<1x16xi32>
          tpu.vector_store %arg7[%swap3A_659, %swap3A_660], %swap3A_663 {strides = array<i32>} : memref<2x128xi32, #tpu.memory_space<vmem>>, vector<1x16xi32>,
          %shift_right_logical3A_664 = arith.constant 16 : i32
          %shift_right_logical3A_665 = vector.broadcast %shift_right_logical3A_664 : i32 to vector<16xi32>
          %shift_right_logical3A_666 = arith.shrui %get3A_654, %shift_right_logical3A_665 : vector<16xi32>
          %swap3A_667 = arith.constant 0 : i32
          %swap3A_668 = arith.index_cast %swap3A_667 : i32 to index
          %swap3A_669 = arith.constant 112 : index
          %swap3A_670 = tpu.vector_load %arg8[%swap3A_668, %swap3A_669] {strides = array<i32>} : memref<2x128xi32, #tpu.memory_space<vmem>>, vector<1x16xi32>,
          %swap3A_671 = vector.shape_cast %swap3A_670 : vector<1x16xi32> to vector<16xi32>
          %swap3A_672 = vector.shape_cast %shift_right_logical3A_666 : vector<16xi32> to vector<1x16xi32>
          tpu.vector_store %arg8[%swap3A_668, %swap3A_669], %swap3A_672 {strides = array<i32>} : memref<2x128xi32, #tpu.memory_space<vmem>>, vector<1x16xi32>,
          %dma_start3A_673 = arith.constant 0 : i32
          %dma_start3A_674 = arith.constant 0 : i32
          %dma_start3A_675 = tpu.memref_slice %arg7[%dma_start3A_673, %dma_start3A_674] : memref<2x128xi32, #tpu.memory_space<vmem>> -> memref<1x128xi32, #tpu.memory_space<vmem>>
          %dma_start3A_676 = tpu.memref_squeeze %dma_start3A_675 : memref<1x128xi32, #tpu.memory_space<vmem>> -> memref<128xi32, #tpu.memory_space<vmem>>
          %dma_start3A_677 = arith.constant 0 : i32
          %dma_start3A_678 = arith.constant 0 : i32
          %dma_start3A_679 = tpu.memref_slice %arg2[%dma_start3A_677, %dma_start3A_678] : memref<10000x128xf32, #tpu.memory_space<hbm>> -> memref<10000x128xf32, #tpu.memory_space<hbm>>
          tpu.enqueue_indirect_dma source(%dma_start3A_679 : memref<10000x128xf32, #tpu.memory_space<hbm>>) target(%arg9 : memref<128x128xf32, #tpu.memory_space<vmem>>) offsets(%dma_start3A_676 : memref<128xi32, #tpu.memory_space<vmem>>) semaphore(%arg12 : memref<!tpu.dma_semaphore, #tpu.memory_space<semaphore_mem>>)
        } else {
        }
      }
      %dma_wait3A = arith.constant 1 : i32
      %dma_wait3A_254 = arith.constant 0 : i32
      %dma_wait3A_255 = tpu.memref_slice %arg8[%dma_wait3A, %dma_wait3A_254] : memref<2x128xi32, #tpu.memory_space<vmem>> -> memref<1x128xi32, #tpu.memory_space<vmem>>
      %dma_wait3A_256 = tpu.memref_squeeze %dma_wait3A_255 : memref<1x128xi32, #tpu.memory_space<vmem>> -> memref<128xi32, #tpu.memory_space<vmem>>
      %dma_wait3A_257 = arith.constant 0 : i32
      %dma_wait3A_258 = arith.constant 0 : i32
      %dma_wait3A_259 = tpu.memref_slice %arg11[%dma_wait3A_257, %dma_wait3A_258] : memref<10112x128xf32, #tpu.memory_space<vmem_shared>> -> memref<10112x128xf32, #tpu.memory_space<vmem_shared>>
      tpu.wait_indirect_dma semaphore(%arg15 : memref<!tpu.dma_semaphore, #tpu.memory_space<semaphore_mem>>) src(%arg10 : memref<128x128xf32, #tpu.memory_space<vmem>>) dst(%dma_wait3A_259 : memref<10112x128xf32, #tpu.memory_space<vmem_shared>>)
    } else {
    }
    %barrier3A_45 = arith.constant 0 : index
    tpu.barrier barrier_id(%barrier3A_45)
    "tpu.trace_stop"() : () -> ()
    "tpu.trace_start"() <{level = 10 : i32, message = "phase_writeout"}> : () -> ()
    %add3A_46 = arith.constant 0 : i32
    %add3A_47 = arith.addi %mul3A_0, %add3A_46 : i32
    "tpu.region"() ({
      %run_scoped3A = tpu.sem_alloc : memref<!tpu.dma_semaphore, #tpu.memory_space<semaphore_mem>>
      %dma_start3A = arith.constant 0 : i32
      %dma_start3A_56 = tpu.memref_slice %arg11[%add3A_47, %dma_start3A] : memref<10112x128xf32, #tpu.memory_space<vmem_shared>> -> memref<128x128xf32, #tpu.memory_space<vmem_shared>>
      %dma_start3A_57 = arith.constant 0 : i32
      %dma_start3A_58 = tpu.memref_slice %arg11[%add3A_47, %dma_start3A_57] : memref<10112x128xf32, #tpu.memory_space<vmem_shared>> -> memref<128x128xf32, #tpu.memory_space<vmem_shared>>
      tpu.enqueue_dma source(%dma_start3A_58 : memref<128x128xf32, #tpu.memory_space<vmem_shared>>) target(%arg9 : memref<128x128xf32, #tpu.memory_space<vmem>>) target_semaphore(%run_scoped3A : memref<!tpu.dma_semaphore, #tpu.memory_space<semaphore_mem>>)
      %dma_wait3A = arith.constant 0 : i32
      %dma_wait3A_59 = tpu.memref_slice %arg11[%add3A_47, %dma_wait3A] : memref<10112x128xf32, #tpu.memory_space<vmem_shared>> -> memref<128x128xf32, #tpu.memory_space<vmem_shared>>
      %dma_wait3A_60 = arith.constant 0 : i32
      %dma_wait3A_61 = tpu.memref_slice %arg11[%add3A_47, %dma_wait3A_60] : memref<10112x128xf32, #tpu.memory_space<vmem_shared>> -> memref<128x128xf32, #tpu.memory_space<vmem_shared>>
      tpu.wait_dma2 semaphore(%run_scoped3A : memref<!tpu.dma_semaphore, #tpu.memory_space<semaphore_mem>>) src(%dma_wait3A_61 : memref<128x128xf32, #tpu.memory_space<vmem_shared>>) dst(%arg9 : memref<128x128xf32, #tpu.memory_space<vmem>>)
      tpu.yield
    }) : () -> ()
    "tpu.region"() ({
      %run_scoped3A = tpu.sem_alloc : memref<!tpu.dma_semaphore, #tpu.memory_space<semaphore_mem>>
      %dma_start3A = arith.constant 0 : i32
      %dma_start3A_56 = tpu.memref_slice %arg5[%arg0, %add3A_47, %dma_start3A] : memref<2x10112x128xf32, #tpu.memory_space<hbm>> -> memref<1x128x128xf32, #tpu.memory_space<hbm>>
      %dma_start3A_57 = tpu.memref_squeeze %dma_start3A_56 : memref<1x128x128xf32, #tpu.memory_space<hbm>> -> memref<128x128xf32, #tpu.memory_space<hbm>>
      %dma_start3A_58 = arith.constant 0 : i32
      %dma_start3A_59 = tpu.memref_slice %arg5[%arg0, %add3A_47, %dma_start3A_58] : memref<2x10112x128xf32, #tpu.memory_space<hbm>> -> memref<1x128x128xf32, #tpu.memory_space<hbm>>
      %dma_start3A_60 = tpu.memref_squeeze %dma_start3A_59 : memref<1x128x128xf32, #tpu.memory_space<hbm>> -> memref<128x128xf32, #tpu.memory_space<hbm>>
      tpu.enqueue_dma source(%arg9 : memref<128x128xf32, #tpu.memory_space<vmem>>) target(%dma_start3A_60 : memref<128x128xf32, #tpu.memory_space<hbm>>) target_semaphore(%run_scoped3A : memref<!tpu.dma_semaphore, #tpu.memory_space<semaphore_mem>>)
      %dma_wait3A = arith.constant 0 : i32
      %dma_wait3A_61 = tpu.memref_slice %arg5[%arg0, %add3A_47, %dma_wait3A] : memref<2x10112x128xf32, #tpu.memory_space<hbm>> -> memref<1x128x128xf32, #tpu.memory_space<hbm>>
      %dma_wait3A_62 = tpu.memref_squeeze %dma_wait3A_61 : memref<1x128x128xf32, #tpu.memory_space<hbm>> -> memref<128x128xf32, #tpu.memory_space<hbm>>
      %dma_wait3A_63 = arith.constant 0 : i32
      %dma_wait3A_64 = tpu.memref_slice %arg5[%arg0, %add3A_47, %dma_wait3A_63] : memref<2x10112x128xf32, #tpu.memory_space<hbm>> -> memref<1x128x128xf32, #tpu.memory_space<hbm>>
      %dma_wait3A_65 = tpu.memref_squeeze %dma_wait3A_64 : memref<1x128x128xf32, #tpu.memory_space<hbm>> -> memref<128x128xf32, #tpu.memory_space<hbm>>
      tpu.wait_dma2 semaphore(%run_scoped3A : memref<!tpu.dma_semaphore, #tpu.memory_space<semaphore_mem>>) src(%arg9 : memref<128x128xf32, #tpu.memory_space<vmem>>) dst(%dma_wait3A_65 : memref<128x128xf32, #tpu.memory_space<hbm>>)
      tpu.yield
    }) : () -> ()
    %add3A_48 = arith.constant 128 : i32
    %add3A_49 = arith.addi %mul3A_0, %add3A_48 : i32
    "tpu.region"() ({
      %run_scoped3A = tpu.sem_alloc : memref<!tpu.dma_semaphore, #tpu.memory_space<semaphore_mem>>
      %dma_start3A = arith.constant 0 : i32
      %dma_start3A_56 = tpu.memref_slice %arg11[%add3A_49, %dma_start3A] : memref<10112x128xf32, #tpu.memory_space<vmem_shared>> -> memref<128x128xf32, #tpu.memory_space<vmem_shared>>
      %dma_start3A_57 = arith.constant 0 : i32
      %dma_start3A_58 = tpu.memref_slice %arg11[%add3A_49, %dma_start3A_57] : memref<10112x128xf32, #tpu.memory_space<vmem_shared>> -> memref<128x128xf32, #tpu.memory_space<vmem_shared>>
      tpu.enqueue_dma source(%dma_start3A_58 : memref<128x128xf32, #tpu.memory_space<vmem_shared>>) target(%arg9 : memref<128x128xf32, #tpu.memory_space<vmem>>) target_semaphore(%run_scoped3A : memref<!tpu.dma_semaphore, #tpu.memory_space<semaphore_mem>>)
      %dma_wait3A = arith.constant 0 : i32
      %dma_wait3A_59 = tpu.memref_slice %arg11[%add3A_49, %dma_wait3A] : memref<10112x128xf32, #tpu.memory_space<vmem_shared>> -> memref<128x128xf32, #tpu.memory_space<vmem_shared>>
      %dma_wait3A_60 = arith.constant 0 : i32
      %dma_wait3A_61 = tpu.memref_slice %arg11[%add3A_49, %dma_wait3A_60] : memref<10112x128xf32, #tpu.memory_space<vmem_shared>> -> memref<128x128xf32, #tpu.memory_space<vmem_shared>>
      tpu.wait_dma2 semaphore(%run_scoped3A : memref<!tpu.dma_semaphore, #tpu.memory_space<semaphore_mem>>) src(%dma_wait3A_61 : memref<128x128xf32, #tpu.memory_space<vmem_shared>>) dst(%arg9 : memref<128x128xf32, #tpu.memory_space<vmem>>)
      tpu.yield
    }) : () -> ()
    "tpu.region"() ({
      %run_scoped3A = tpu.sem_alloc : memref<!tpu.dma_semaphore, #tpu.memory_space<semaphore_mem>>
      %dma_start3A = arith.constant 0 : i32
      %dma_start3A_56 = tpu.memref_slice %arg5[%arg0, %add3A_49, %dma_start3A] : memref<2x10112x128xf32, #tpu.memory_space<hbm>> -> memref<1x128x128xf32, #tpu.memory_space<hbm>>
      %dma_start3A_57 = tpu.memref_squeeze %dma_start3A_56 : memref<1x128x128xf32, #tpu.memory_space<hbm>> -> memref<128x128xf32, #tpu.memory_space<hbm>>
      %dma_start3A_58 = arith.constant 0 : i32
      %dma_start3A_59 = tpu.memref_slice %arg5[%arg0, %add3A_49, %dma_start3A_58] : memref<2x10112x128xf32, #tpu.memory_space<hbm>> -> memref<1x128x128xf32, #tpu.memory_space<hbm>>
      %dma_start3A_60 = tpu.memref_squeeze %dma_start3A_59 : memref<1x128x128xf32, #tpu.memory_space<hbm>> -> memref<128x128xf32, #tpu.memory_space<hbm>>
      tpu.enqueue_dma source(%arg9 : memref<128x128xf32, #tpu.memory_space<vmem>>) target(%dma_start3A_60 : memref<128x128xf32, #tpu.memory_space<hbm>>) target_semaphore(%run_scoped3A : memref<!tpu.dma_semaphore, #tpu.memory_space<semaphore_mem>>)
      %dma_wait3A = arith.constant 0 : i32
      %dma_wait3A_61 = tpu.memref_slice %arg5[%arg0, %add3A_49, %dma_wait3A] : memref<2x10112x128xf32, #tpu.memory_space<hbm>> -> memref<1x128x128xf32, #tpu.memory_space<hbm>>
      %dma_wait3A_62 = tpu.memref_squeeze %dma_wait3A_61 : memref<1x128x128xf32, #tpu.memory_space<hbm>> -> memref<128x128xf32, #tpu.memory_space<hbm>>
      %dma_wait3A_63 = arith.constant 0 : i32
      %dma_wait3A_64 = tpu.memref_slice %arg5[%arg0, %add3A_49, %dma_wait3A_63] : memref<2x10112x128xf32, #tpu.memory_space<hbm>> -> memref<1x128x128xf32, #tpu.memory_space<hbm>>
      %dma_wait3A_65 = tpu.memref_squeeze %dma_wait3A_64 : memref<1x128x128xf32, #tpu.memory_space<hbm>> -> memref<128x128xf32, #tpu.memory_space<hbm>>
      tpu.wait_dma2 semaphore(%run_scoped3A : memref<!tpu.dma_semaphore, #tpu.memory_space<semaphore_mem>>) src(%arg9 : memref<128x128xf32, #tpu.memory_space<vmem>>) dst(%dma_wait3A_65 : memref<128x128xf32, #tpu.memory_space<hbm>>)
      tpu.yield
    }) : () -> ()
    %add3A_50 = arith.constant 256 : i32
    %add3A_51 = arith.addi %mul3A_0, %add3A_50 : i32
    "tpu.region"() ({
      %run_scoped3A = tpu.sem_alloc : memref<!tpu.dma_semaphore, #tpu.memory_space<semaphore_mem>>
      %dma_start3A = arith.constant 0 : i32
      %dma_start3A_56 = tpu.memref_slice %arg11[%add3A_51, %dma_start3A] : memref<10112x128xf32, #tpu.memory_space<vmem_shared>> -> memref<128x128xf32, #tpu.memory_space<vmem_shared>>
      %dma_start3A_57 = arith.constant 0 : i32
      %dma_start3A_58 = tpu.memref_slice %arg11[%add3A_51, %dma_start3A_57] : memref<10112x128xf32, #tpu.memory_space<vmem_shared>> -> memref<128x128xf32, #tpu.memory_space<vmem_shared>>
      tpu.enqueue_dma source(%dma_start3A_58 : memref<128x128xf32, #tpu.memory_space<vmem_shared>>) target(%arg9 : memref<128x128xf32, #tpu.memory_space<vmem>>) target_semaphore(%run_scoped3A : memref<!tpu.dma_semaphore, #tpu.memory_space<semaphore_mem>>)
      %dma_wait3A = arith.constant 0 : i32
      %dma_wait3A_59 = tpu.memref_slice %arg11[%add3A_51, %dma_wait3A] : memref<10112x128xf32, #tpu.memory_space<vmem_shared>> -> memref<128x128xf32, #tpu.memory_space<vmem_shared>>
      %dma_wait3A_60 = arith.constant 0 : i32
      %dma_wait3A_61 = tpu.memref_slice %arg11[%add3A_51, %dma_wait3A_60] : memref<10112x128xf32, #tpu.memory_space<vmem_shared>> -> memref<128x128xf32, #tpu.memory_space<vmem_shared>>
      tpu.wait_dma2 semaphore(%run_scoped3A : memref<!tpu.dma_semaphore, #tpu.memory_space<semaphore_mem>>) src(%dma_wait3A_61 : memref<128x128xf32, #tpu.memory_space<vmem_shared>>) dst(%arg9 : memref<128x128xf32, #tpu.memory_space<vmem>>)
      tpu.yield
    }) : () -> ()
    "tpu.region"() ({
      %run_scoped3A = tpu.sem_alloc : memref<!tpu.dma_semaphore, #tpu.memory_space<semaphore_mem>>
      %dma_start3A = arith.constant 0 : i32
      %dma_start3A_56 = tpu.memref_slice %arg5[%arg0, %add3A_51, %dma_start3A] : memref<2x10112x128xf32, #tpu.memory_space<hbm>> -> memref<1x128x128xf32, #tpu.memory_space<hbm>>
      %dma_start3A_57 = tpu.memref_squeeze %dma_start3A_56 : memref<1x128x128xf32, #tpu.memory_space<hbm>> -> memref<128x128xf32, #tpu.memory_space<hbm>>
      %dma_start3A_58 = arith.constant 0 : i32
      %dma_start3A_59 = tpu.memref_slice %arg5[%arg0, %add3A_51, %dma_start3A_58] : memref<2x10112x128xf32, #tpu.memory_space<hbm>> -> memref<1x128x128xf32, #tpu.memory_space<hbm>>
      %dma_start3A_60 = tpu.memref_squeeze %dma_start3A_59 : memref<1x128x128xf32, #tpu.memory_space<hbm>> -> memref<128x128xf32, #tpu.memory_space<hbm>>
      tpu.enqueue_dma source(%arg9 : memref<128x128xf32, #tpu.memory_space<vmem>>) target(%dma_start3A_60 : memref<128x128xf32, #tpu.memory_space<hbm>>) target_semaphore(%run_scoped3A : memref<!tpu.dma_semaphore, #tpu.memory_space<semaphore_mem>>)
      %dma_wait3A = arith.constant 0 : i32
      %dma_wait3A_61 = tpu.memref_slice %arg5[%arg0, %add3A_51, %dma_wait3A] : memref<2x10112x128xf32, #tpu.memory_space<hbm>> -> memref<1x128x128xf32, #tpu.memory_space<hbm>>
      %dma_wait3A_62 = tpu.memref_squeeze %dma_wait3A_61 : memref<1x128x128xf32, #tpu.memory_space<hbm>> -> memref<128x128xf32, #tpu.memory_space<hbm>>
      %dma_wait3A_63 = arith.constant 0 : i32
      %dma_wait3A_64 = tpu.memref_slice %arg5[%arg0, %add3A_51, %dma_wait3A_63] : memref<2x10112x128xf32, #tpu.memory_space<hbm>> -> memref<1x128x128xf32, #tpu.memory_space<hbm>>
      %dma_wait3A_65 = tpu.memref_squeeze %dma_wait3A_64 : memref<1x128x128xf32, #tpu.memory_space<hbm>> -> memref<128x128xf32, #tpu.memory_space<hbm>>
      tpu.wait_dma2 semaphore(%run_scoped3A : memref<!tpu.dma_semaphore, #tpu.memory_space<semaphore_mem>>) src(%arg9 : memref<128x128xf32, #tpu.memory_space<vmem>>) dst(%dma_wait3A_65 : memref<128x128xf32, #tpu.memory_space<hbm>>)
      tpu.yield
    }) : () -> ()
    %add3A_52 = arith.constant 384 : i32
    %add3A_53 = arith.addi %mul3A_0, %add3A_52 : i32
    "tpu.region"() ({
      %run_scoped3A = tpu.sem_alloc : memref<!tpu.dma_semaphore, #tpu.memory_space<semaphore_mem>>
      %dma_start3A = arith.constant 0 : i32
      %dma_start3A_56 = tpu.memref_slice %arg11[%add3A_53, %dma_start3A] : memref<10112x128xf32, #tpu.memory_space<vmem_shared>> -> memref<128x128xf32, #tpu.memory_space<vmem_shared>>
      %dma_start3A_57 = arith.constant 0 : i32
      %dma_start3A_58 = tpu.memref_slice %arg11[%add3A_53, %dma_start3A_57] : memref<10112x128xf32, #tpu.memory_space<vmem_shared>> -> memref<128x128xf32, #tpu.memory_space<vmem_shared>>
      tpu.enqueue_dma source(%dma_start3A_58 : memref<128x128xf32, #tpu.memory_space<vmem_shared>>) target(%arg9 : memref<128x128xf32, #tpu.memory_space<vmem>>) target_semaphore(%run_scoped3A : memref<!tpu.dma_semaphore, #tpu.memory_space<semaphore_mem>>)
      %dma_wait3A = arith.constant 0 : i32
      %dma_wait3A_59 = tpu.memref_slice %arg11[%add3A_53, %dma_wait3A] : memref<10112x128xf32, #tpu.memory_space<vmem_shared>> -> memref<128x128xf32, #tpu.memory_space<vmem_shared>>
      %dma_wait3A_60 = arith.constant 0 : i32
      %dma_wait3A_61 = tpu.memref_slice %arg11[%add3A_53, %dma_wait3A_60] : memref<10112x128xf32, #tpu.memory_space<vmem_shared>> -> memref<128x128xf32, #tpu.memory_space<vmem_shared>>
      tpu.wait_dma2 semaphore(%run_scoped3A : memref<!tpu.dma_semaphore, #tpu.memory_space<semaphore_mem>>) src(%dma_wait3A_61 : memref<128x128xf32, #tpu.memory_space<vmem_shared>>) dst(%arg9 : memref<128x128xf32, #tpu.memory_space<vmem>>)
      tpu.yield
    }) : () -> ()
    "tpu.region"() ({
      %run_scoped3A = tpu.sem_alloc : memref<!tpu.dma_semaphore, #tpu.memory_space<semaphore_mem>>
      %dma_start3A = arith.constant 0 : i32
      %dma_start3A_56 = tpu.memref_slice %arg5[%arg0, %add3A_53, %dma_start3A] : memref<2x10112x128xf32, #tpu.memory_space<hbm>> -> memref<1x128x128xf32, #tpu.memory_space<hbm>>
      %dma_start3A_57 = tpu.memref_squeeze %dma_start3A_56 : memref<1x128x128xf32, #tpu.memory_space<hbm>> -> memref<128x128xf32, #tpu.memory_space<hbm>>
      %dma_start3A_58 = arith.constant 0 : i32
      %dma_start3A_59 = tpu.memref_slice %arg5[%arg0, %add3A_53, %dma_start3A_58] : memref<2x10112x128xf32, #tpu.memory_space<hbm>> -> memref<1x128x128xf32, #tpu.memory_space<hbm>>
      %dma_start3A_60 = tpu.memref_squeeze %dma_start3A_59 : memref<1x128x128xf32, #tpu.memory_space<hbm>> -> memref<128x128xf32, #tpu.memory_space<hbm>>
      tpu.enqueue_dma source(%arg9 : memref<128x128xf32, #tpu.memory_space<vmem>>) target(%dma_start3A_60 : memref<128x128xf32, #tpu.memory_space<hbm>>) target_semaphore(%run_scoped3A : memref<!tpu.dma_semaphore, #tpu.memory_space<semaphore_mem>>)
      %dma_wait3A = arith.constant 0 : i32
      %dma_wait3A_61 = tpu.memref_slice %arg5[%arg0, %add3A_53, %dma_wait3A] : memref<2x10112x128xf32, #tpu.memory_space<hbm>> -> memref<1x128x128xf32, #tpu.memory_space<hbm>>
      %dma_wait3A_62 = tpu.memref_squeeze %dma_wait3A_61 : memref<1x128x128xf32, #tpu.memory_space<hbm>> -> memref<128x128xf32, #tpu.memory_space<hbm>>
      %dma_wait3A_63 = arith.constant 0 : i32
      %dma_wait3A_64 = tpu.memref_slice %arg5[%arg0, %add3A_53, %dma_wait3A_63] : memref<2x10112x128xf32, #tpu.memory_space<hbm>> -> memref<1x128x128xf32, #tpu.memory_space<hbm>>
      %dma_wait3A_65 = tpu.memref_squeeze %dma_wait3A_64 : memref<1x128x128xf32, #tpu.memory_space<hbm>> -> memref<128x128xf32, #tpu.memory_space<hbm>>
      tpu.wait_dma2 semaphore(%run_scoped3A : memref<!tpu.dma_semaphore, #tpu.memory_space<semaphore_mem>>) src(%arg9 : memref<128x128xf32, #tpu.memory_space<vmem>>) dst(%dma_wait3A_65 : memref<128x128xf32, #tpu.memory_space<hbm>>)
      tpu.yield
    }) : () -> ()
    %add3A_54 = arith.constant 512 : i32
    %add3A_55 = arith.addi %mul3A_0, %add3A_54 : i32
    "tpu.region"() ({
      %run_scoped3A = tpu.sem_alloc : memref<!tpu.dma_semaphore, #tpu.memory_space<semaphore_mem>>
      %dma_start3A = arith.constant 0 : i32
      %dma_start3A_56 = arith.constant 0 : i32
      %dma_start3A_57 = tpu.memref_slice %arg9[%dma_start3A, %dma_start3A_56] : memref<128x128xf32, #tpu.memory_space<vmem>> -> memref<120x128xf32, #tpu.memory_space<vmem>>
      %dma_start3A_58 = arith.constant 0 : i32
      %dma_start3A_59 = tpu.memref_slice %arg11[%add3A_55, %dma_start3A_58] : memref<10112x128xf32, #tpu.memory_space<vmem_shared>> -> memref<120x128xf32, #tpu.memory_space<vmem_shared>>
      %dma_start3A_60 = arith.constant 0 : i32
      %dma_start3A_61 = arith.constant 0 : i32
      %dma_start3A_62 = tpu.memref_slice %arg9[%dma_start3A_60, %dma_start3A_61] : memref<128x128xf32, #tpu.memory_space<vmem>> -> memref<120x128xf32, #tpu.memory_space<vmem>>
      %dma_start3A_63 = arith.constant 0 : i32
      %dma_start3A_64 = tpu.memref_slice %arg11[%add3A_55, %dma_start3A_63] : memref<10112x128xf32, #tpu.memory_space<vmem_shared>> -> memref<120x128xf32, #tpu.memory_space<vmem_shared>>
      tpu.enqueue_dma source(%dma_start3A_64 : memref<120x128xf32, #tpu.memory_space<vmem_shared>>) target(%dma_start3A_62 : memref<120x128xf32, #tpu.memory_space<vmem>>) target_semaphore(%run_scoped3A : memref<!tpu.dma_semaphore, #tpu.memory_space<semaphore_mem>>)
      %dma_wait3A = arith.constant 0 : i32
      %dma_wait3A_65 = arith.constant 0 : i32
      %dma_wait3A_66 = tpu.memref_slice %arg9[%dma_wait3A, %dma_wait3A_65] : memref<128x128xf32, #tpu.memory_space<vmem>> -> memref<120x128xf32, #tpu.memory_space<vmem>>
      %dma_wait3A_67 = arith.constant 0 : i32
      %dma_wait3A_68 = tpu.memref_slice %arg11[%add3A_55, %dma_wait3A_67] : memref<10112x128xf32, #tpu.memory_space<vmem_shared>> -> memref<120x128xf32, #tpu.memory_space<vmem_shared>>
      %dma_wait3A_69 = arith.constant 0 : i32
      %dma_wait3A_70 = arith.constant 0 : i32
      %dma_wait3A_71 = tpu.memref_slice %arg9[%dma_wait3A_69, %dma_wait3A_70] : memref<128x128xf32, #tpu.memory_space<vmem>> -> memref<120x128xf32, #tpu.memory_space<vmem>>
      %dma_wait3A_72 = arith.constant 0 : i32
      %dma_wait3A_73 = tpu.memref_slice %arg11[%add3A_55, %dma_wait3A_72] : memref<10112x128xf32, #tpu.memory_space<vmem_shared>> -> memref<120x128xf32, #tpu.memory_space<vmem_shared>>
      tpu.wait_dma2 semaphore(%run_scoped3A : memref<!tpu.dma_semaphore, #tpu.memory_space<semaphore_mem>>) src(%dma_wait3A_73 : memref<120x128xf32, #tpu.memory_space<vmem_shared>>) dst(%dma_wait3A_71 : memref<120x128xf32, #tpu.memory_space<vmem>>)
      tpu.yield
    }) : () -> ()
    "tpu.region"() ({
      %run_scoped3A = tpu.sem_alloc : memref<!tpu.dma_semaphore, #tpu.memory_space<semaphore_mem>>
      %dma_start3A = arith.constant 0 : i32
      %dma_start3A_56 = arith.constant 0 : i32
      %dma_start3A_57 = tpu.memref_slice %arg9[%dma_start3A, %dma_start3A_56] : memref<128x128xf32, #tpu.memory_space<vmem>> -> memref<120x128xf32, #tpu.memory_space<vmem>>
      %dma_start3A_58 = arith.constant 0 : i32
      %dma_start3A_59 = tpu.memref_slice %arg5[%arg0, %add3A_55, %dma_start3A_58] : memref<2x10112x128xf32, #tpu.memory_space<hbm>> -> memref<1x120x128xf32, #tpu.memory_space<hbm>>
      %dma_start3A_60 = tpu.memref_squeeze %dma_start3A_59 : memref<1x120x128xf32, #tpu.memory_space<hbm>> -> memref<120x128xf32, #tpu.memory_space<hbm>>
      %dma_start3A_61 = arith.constant 0 : i32
      %dma_start3A_62 = tpu.memref_slice %arg5[%arg0, %add3A_55, %dma_start3A_61] : memref<2x10112x128xf32, #tpu.memory_space<hbm>> -> memref<1x120x128xf32, #tpu.memory_space<hbm>>
      %dma_start3A_63 = tpu.memref_squeeze %dma_start3A_62 : memref<1x120x128xf32, #tpu.memory_space<hbm>> -> memref<120x128xf32, #tpu.memory_space<hbm>>
      %dma_start3A_64 = arith.constant 0 : i32
      %dma_start3A_65 = arith.constant 0 : i32
      %dma_start3A_66 = tpu.memref_slice %arg9[%dma_start3A_64, %dma_start3A_65] : memref<128x128xf32, #tpu.memory_space<vmem>> -> memref<120x128xf32, #tpu.memory_space<vmem>>
      tpu.enqueue_dma source(%dma_start3A_66 : memref<120x128xf32, #tpu.memory_space<vmem>>) target(%dma_start3A_63 : memref<120x128xf32, #tpu.memory_space<hbm>>) target_semaphore(%run_scoped3A : memref<!tpu.dma_semaphore, #tpu.memory_space<semaphore_mem>>)
      %dma_wait3A = arith.constant 0 : i32
      %dma_wait3A_67 = arith.constant 0 : i32
      %dma_wait3A_68 = tpu.memref_slice %arg9[%dma_wait3A, %dma_wait3A_67] : memref<128x128xf32, #tpu.memory_space<vmem>> -> memref<120x128xf32, #tpu.memory_space<vmem>>
      %dma_wait3A_69 = arith.constant 0 : i32
      %dma_wait3A_70 = tpu.memref_slice %arg5[%arg0, %add3A_55, %dma_wait3A_69] : memref<2x10112x128xf32, #tpu.memory_space<hbm>> -> memref<1x120x128xf32, #tpu.memory_space<hbm>>
      %dma_wait3A_71 = tpu.memref_squeeze %dma_wait3A_70 : memref<1x120x128xf32, #tpu.memory_space<hbm>> -> memref<120x128xf32, #tpu.memory_space<hbm>>
      %dma_wait3A_72 = arith.constant 0 : i32
      %dma_wait3A_73 = tpu.memref_slice %arg5[%arg0, %add3A_55, %dma_wait3A_72] : memref<2x10112x128xf32, #tpu.memory_space<hbm>> -> memref<1x120x128xf32, #tpu.memory_space<hbm>>
      %dma_wait3A_74 = tpu.memref_squeeze %dma_wait3A_73 : memref<1x120x128xf32, #tpu.memory_space<hbm>> -> memref<120x128xf32, #tpu.memory_space<hbm>>
      %dma_wait3A_75 = arith.constant 0 : i32
      %dma_wait3A_76 = arith.constant 0 : i32
      %dma_wait3A_77 = tpu.memref_slice %arg9[%dma_wait3A_75, %dma_wait3A_76] : memref<128x128xf32, #tpu.memory_space<vmem>> -> memref<120x128xf32, #tpu.memory_space<vmem>>
      tpu.wait_dma2 semaphore(%run_scoped3A : memref<!tpu.dma_semaphore, #tpu.memory_space<semaphore_mem>>) src(%dma_wait3A_77 : memref<120x128xf32, #tpu.memory_space<vmem>>) dst(%dma_wait3A_74 : memref<120x128xf32, #tpu.memory_space<hbm>>)
      tpu.yield
    }) : () -> ()
    "tpu.trace_stop"() : () -> ()
    return
  }
}

module attributes {stable_mosaic.version = 14 : i64} {
  func.func @_mlp1_body(%arg0: i32, %arg1: memref<2000x128xf32, #tpu.memory_space<vmem>>, %arg2: memref<128x128xf32, #tpu.memory_space<vmem>>, %arg3: memref<1x128xf32, #tpu.memory_space<vmem>>, %arg4: memref<128x128xf32, #tpu.memory_space<vmem>>, %arg5: memref<1x128xf32, #tpu.memory_space<vmem>>, %arg6: memref<2000x128xf32, #tpu.memory_space<vmem>>) attributes {dimension_semantics = [#tpu.dimension_semantics<arbitrary>], iteration_bounds = array<i64: 5>, scalar_prefetch = 0 : i64, scratch_operands = 0 : i64, tpu.core_type = #tpu.core_type<tc>, window_params = [{transform_indices = @transform_0, window_bounds = array<i64: 2000, 128>}, {pipeline_mode = #tpu.pipeline_mode<synchronous>, transform_indices = @transform_1, window_bounds = array<i64: 128, 128>}, {pipeline_mode = #tpu.pipeline_mode<synchronous>, transform_indices = @transform_2, window_bounds = array<i64: 1, 128>}, {pipeline_mode = #tpu.pipeline_mode<synchronous>, transform_indices = @transform_3, window_bounds = array<i64: 128, 128>}, {pipeline_mode = #tpu.pipeline_mode<synchronous>, transform_indices = @transform_4, window_bounds = array<i64: 1, 128>}, {transform_indices = @transform_5, window_bounds = array<i64: 2000, 128>}]} {
    %get3A = arith.constant 0 : index
    %get3A_0 = arith.constant 0 : index
    %get3A_1 = vector.load %arg1[%get3A, %get3A_0] : memref<2000x128xf32, #tpu.memory_space<vmem>>, vector<2000x128xf32>
    %get3A_2 = arith.constant 0 : index
    %get3A_3 = arith.constant 0 : index
    %get3A_4 = vector.load %arg2[%get3A_2, %get3A_3] : memref<128x128xf32, #tpu.memory_space<vmem>>, vector<128x128xf32>
    %dot_general3A = arith.constant dense<0.000000e+00> : vector<2000x128xf32>
    %dot_general3A_5 = tpu.matmul %get3A_1, %get3A_4, %dot_general3A {dimension_numbers = #tpu.dot_dimension_numbers<[1], [0], [0], [1], [0, 0, 1, 1], [], []>, transpose_lhs_hint = false} : vector<2000x128xf32>, vector<128x128xf32>, vector<2000x128xf32> -> vector<2000x128xf32>
    %get3A_6 = arith.constant 0 : index
    %get3A_7 = arith.constant 0 : index
    %get3A_8 = vector.load %arg3[%get3A_6, %get3A_7] : memref<1x128xf32, #tpu.memory_space<vmem>>, vector<1x128xf32>
    %add3A = vector.broadcast %get3A_8 : vector<1x128xf32> to vector<2000x128xf32>
    %add3A_9 = arith.addf %dot_general3A_5, %add3A : vector<2000x128xf32>
    %max3A = arith.constant 0.000000e+00 : f32
    %max3A_10 = vector.broadcast %max3A : f32 to vector<2000x128xf32>
    %max3A_11 = arith.maximumf %add3A_9, %max3A_10 : vector<2000x128xf32>
    %get3A_12 = arith.constant 0 : index
    %get3A_13 = arith.constant 0 : index
    %get3A_14 = vector.load %arg4[%get3A_12, %get3A_13] : memref<128x128xf32, #tpu.memory_space<vmem>>, vector<128x128xf32>
    %dot_general3A_15 = arith.constant dense<0.000000e+00> : vector<2000x128xf32>
    %dot_general3A_16 = tpu.matmul %max3A_11, %get3A_14, %dot_general3A_15 {dimension_numbers = #tpu.dot_dimension_numbers<[1], [0], [0], [1], [0, 0, 1, 1], [], []>, transpose_lhs_hint = false} : vector<2000x128xf32>, vector<128x128xf32>, vector<2000x128xf32> -> vector<2000x128xf32>
    %get3A_17 = arith.constant 0 : index
    %get3A_18 = arith.constant 0 : index
    %get3A_19 = vector.load %arg5[%get3A_17, %get3A_18] : memref<1x128xf32, #tpu.memory_space<vmem>>, vector<1x128xf32>
    %add3A_20 = vector.broadcast %get3A_19 : vector<1x128xf32> to vector<2000x128xf32>
    %add3A_21 = arith.addf %dot_general3A_16, %add3A_20 : vector<2000x128xf32>
    %swap3A = arith.constant 0 : index
    %swap3A_22 = arith.constant 0 : index
    %swap3A_23 = vector.load %arg6[%swap3A, %swap3A_22] : memref<2000x128xf32, #tpu.memory_space<vmem>>, vector<2000x128xf32>
    tpu.vector_store %arg6[%swap3A, %swap3A_22], %add3A_21 {strides = array<i32>} : memref<2000x128xf32, #tpu.memory_space<vmem>>, vector<2000x128xf32>,
    return
  }
  func.func @transform_0(%arg0: i32) -> (i32, i32) {
    %c0_i32 = arith.constant 0 : i32
    %c0_i32_0 = arith.constant 0 : i32
    return %arg0, %c0_i32 : i32, i32
  }
  func.func @transform_1(%arg0: i32) -> (i32, i32) {
    %c0_i32 = arith.constant 0 : i32
    %c0_i32_0 = arith.constant 0 : i32
    %c0_i32_1 = arith.constant 0 : i32
    return %c0_i32, %c0_i32_0 : i32, i32
  }
  func.func @transform_2(%arg0: i32) -> (i32, i32) {
    %c0_i32 = arith.constant 0 : i32
    %c0_i32_0 = arith.constant 0 : i32
    %c0_i32_1 = arith.constant 0 : i32
    return %c0_i32, %c0_i32_0 : i32, i32
  }
  func.func @transform_3(%arg0: i32) -> (i32, i32) {
    %c0_i32 = arith.constant 0 : i32
    %c0_i32_0 = arith.constant 0 : i32
    %c0_i32_1 = arith.constant 0 : i32
    return %c0_i32, %c0_i32_0 : i32, i32
  }
  func.func @transform_4(%arg0: i32) -> (i32, i32) {
    %c0_i32 = arith.constant 0 : i32
    %c0_i32_0 = arith.constant 0 : i32
    %c0_i32_1 = arith.constant 0 : i32
    return %c0_i32, %c0_i32_0 : i32, i32
  }
  func.func @transform_5(%arg0: i32) -> (i32, i32) {
    %c0_i32 = arith.constant 0 : i32
    %c0_i32_0 = arith.constant 0 : i32
    return %arg0, %c0_i32 : i32, i32
  }
}

module attributes {stable_mosaic.version = 14 : i64} {
  func.func @_mlp2_body(%arg0: i32, %arg1: memref<2000x128xf32, #tpu.memory_space<vmem>>, %arg2: memref<2x2000x128xf32, #tpu.memory_space<vmem>>, %arg3: memref<128x128xf32, #tpu.memory_space<vmem>>, %arg4: memref<1x128xf32, #tpu.memory_space<vmem>>, %arg5: memref<128x128xf32, #tpu.memory_space<vmem>>, %arg6: memref<1x128xf32, #tpu.memory_space<vmem>>, %arg7: memref<2000x128xf32, #tpu.memory_space<vmem>>) attributes {dimension_semantics = [#tpu.dimension_semantics<arbitrary>], iteration_bounds = array<i64: 5>, scalar_prefetch = 0 : i64, scratch_operands = 0 : i64, tpu.core_type = #tpu.core_type<tc>, window_params = [{transform_indices = @transform_0, window_bounds = array<i64: 2000, 128>}, {transform_indices = @transform_1, window_bounds = array<i64: 2, 2000, 128>}, {pipeline_mode = #tpu.pipeline_mode<synchronous>, transform_indices = @transform_2, window_bounds = array<i64: 128, 128>}, {pipeline_mode = #tpu.pipeline_mode<synchronous>, transform_indices = @transform_3, window_bounds = array<i64: 1, 128>}, {pipeline_mode = #tpu.pipeline_mode<synchronous>, transform_indices = @transform_4, window_bounds = array<i64: 128, 128>}, {pipeline_mode = #tpu.pipeline_mode<synchronous>, transform_indices = @transform_5, window_bounds = array<i64: 1, 128>}, {transform_indices = @transform_6, window_bounds = array<i64: 2000, 128>}]} {
    %get3A = arith.constant 0 : index
    %get3A_0 = arith.constant 0 : index
    %get3A_1 = vector.load %arg1[%get3A, %get3A_0] : memref<2000x128xf32, #tpu.memory_space<vmem>>, vector<2000x128xf32>
    %get3A_2 = arith.constant 0 : index
    %get3A_3 = arith.constant 0 : index
    %get3A_4 = arith.constant 0 : index
    %get3A_5 = vector.load %arg2[%get3A_2, %get3A_3, %get3A_4] : memref<2x2000x128xf32, #tpu.memory_space<vmem>>, vector<1x2000x128xf32>
    %get3A_6 = vector.shape_cast %get3A_5 : vector<1x2000x128xf32> to vector<2000x128xf32>
    %add3A = arith.addf %get3A_1, %get3A_6 : vector<2000x128xf32>
    %get3A_7 = arith.constant 1 : index
    %get3A_8 = arith.constant 0 : index
    %get3A_9 = arith.constant 0 : index
    %get3A_10 = vector.load %arg2[%get3A_7, %get3A_8, %get3A_9] : memref<2x2000x128xf32, #tpu.memory_space<vmem>>, vector<1x2000x128xf32>
    %get3A_11 = vector.shape_cast %get3A_10 : vector<1x2000x128xf32> to vector<2000x128xf32>
    %add3A_12 = arith.addf %add3A, %get3A_11 : vector<2000x128xf32>
    %get3A_13 = arith.constant 0 : index
    %get3A_14 = arith.constant 0 : index
    %get3A_15 = vector.load %arg3[%get3A_13, %get3A_14] : memref<128x128xf32, #tpu.memory_space<vmem>>, vector<128x128xf32>
    %dot_general3A = arith.constant dense<0.000000e+00> : vector<2000x128xf32>
    %dot_general3A_16 = tpu.matmul %add3A_12, %get3A_15, %dot_general3A {dimension_numbers = #tpu.dot_dimension_numbers<[1], [0], [0], [1], [0, 0, 1, 1], [], []>, transpose_lhs_hint = false} : vector<2000x128xf32>, vector<128x128xf32>, vector<2000x128xf32> -> vector<2000x128xf32>
    %get3A_17 = arith.constant 0 : index
    %get3A_18 = arith.constant 0 : index
    %get3A_19 = vector.load %arg4[%get3A_17, %get3A_18] : memref<1x128xf32, #tpu.memory_space<vmem>>, vector<1x128xf32>
    %add3A_20 = vector.broadcast %get3A_19 : vector<1x128xf32> to vector<2000x128xf32>
    %add3A_21 = arith.addf %dot_general3A_16, %add3A_20 : vector<2000x128xf32>
    %max3A = arith.constant 0.000000e+00 : f32
    %max3A_22 = vector.broadcast %max3A : f32 to vector<2000x128xf32>
    %max3A_23 = arith.maximumf %add3A_21, %max3A_22 : vector<2000x128xf32>
    %get3A_24 = arith.constant 0 : index
    %get3A_25 = arith.constant 0 : index
    %get3A_26 = vector.load %arg5[%get3A_24, %get3A_25] : memref<128x128xf32, #tpu.memory_space<vmem>>, vector<128x128xf32>
    %dot_general3A_27 = arith.constant dense<0.000000e+00> : vector<2000x128xf32>
    %dot_general3A_28 = tpu.matmul %max3A_23, %get3A_26, %dot_general3A_27 {dimension_numbers = #tpu.dot_dimension_numbers<[1], [0], [0], [1], [0, 0, 1, 1], [], []>, transpose_lhs_hint = false} : vector<2000x128xf32>, vector<128x128xf32>, vector<2000x128xf32> -> vector<2000x128xf32>
    %get3A_29 = arith.constant 0 : index
    %get3A_30 = arith.constant 0 : index
    %get3A_31 = vector.load %arg6[%get3A_29, %get3A_30] : memref<1x128xf32, #tpu.memory_space<vmem>>, vector<1x128xf32>
    %add3A_32 = vector.broadcast %get3A_31 : vector<1x128xf32> to vector<2000x128xf32>
    %add3A_33 = arith.addf %dot_general3A_28, %add3A_32 : vector<2000x128xf32>
    %swap3A = arith.constant 0 : index
    %swap3A_34 = arith.constant 0 : index
    %swap3A_35 = vector.load %arg7[%swap3A, %swap3A_34] : memref<2000x128xf32, #tpu.memory_space<vmem>>, vector<2000x128xf32>
    tpu.vector_store %arg7[%swap3A, %swap3A_34], %add3A_33 {strides = array<i32>} : memref<2000x128xf32, #tpu.memory_space<vmem>>, vector<2000x128xf32>,
    return
  }
  func.func @transform_0(%arg0: i32) -> (i32, i32) {
    %c0_i32 = arith.constant 0 : i32
    %c0_i32_0 = arith.constant 0 : i32
    return %arg0, %c0_i32 : i32, i32
  }
  func.func @transform_1(%arg0: i32) -> (i32, i32, i32) {
    %c0_i32 = arith.constant 0 : i32
    %c0_i32_0 = arith.constant 0 : i32
    %c0_i32_1 = arith.constant 0 : i32
    return %c0_i32, %arg0, %c0_i32_0 : i32, i32, i32
  }
  func.func @transform_2(%arg0: i32) -> (i32, i32) {
    %c0_i32 = arith.constant 0 : i32
    %c0_i32_0 = arith.constant 0 : i32
    %c0_i32_1 = arith.constant 0 : i32
    return %c0_i32, %c0_i32_0 : i32, i32
  }
  func.func @transform_3(%arg0: i32) -> (i32, i32) {
    %c0_i32 = arith.constant 0 : i32
    %c0_i32_0 = arith.constant 0 : i32
    %c0_i32_1 = arith.constant 0 : i32
    return %c0_i32, %c0_i32_0 : i32, i32
  }
  func.func @transform_4(%arg0: i32) -> (i32, i32) {
    %c0_i32 = arith.constant 0 : i32
    %c0_i32_0 = arith.constant 0 : i32
    %c0_i32_1 = arith.constant 0 : i32
    return %c0_i32, %c0_i32_0 : i32, i32
  }
  func.func @transform_5(%arg0: i32) -> (i32, i32) {
    %c0_i32 = arith.constant 0 : i32
    %c0_i32_0 = arith.constant 0 : i32
    %c0_i32_1 = arith.constant 0 : i32
    return %c0_i32, %c0_i32_0 : i32, i32
  }
  func.func @transform_6(%arg0: i32) -> (i32, i32) {
    %c0_i32 = arith.constant 0 : i32
    %c0_i32_0 = arith.constant 0 : i32
    return %arg0, %c0_i32 : i32, i32
  }
}

</mosaic_0001>

<sc_bundles>
// kernel: kernel.5.cloned.1.call-start
scs
__scs_entry_jumppad:
0x0: {  	(pc) =	sbr.rel $0x88, $3  }
0x1: {  	(tag) =	ssettag $0x0;
	lr =	simm.s32 $0x1  }
0x2: {  	[smem:$0x3F9B] =	sst lr;
	_ =	strace $0xD0000000  }
0x3: {  	_ = 	snop  }
0x4: {  	_ = 	snop  }
0x5: {  	_ = 	snop  }
0x6: {  	_ = 	snop  }
0x7: {  	_ = 	snop  }
__scs_overlays_trampoline_lowered:
0x8: {  	[smem:$0x3FAA] =	sst s0  }
0x9: {  	[smem:$0x3FAB] =	sst s1  }
0xa: {  	[smem:$0x3FAC] =	sst s2  }
0xb: {  	[smem:$0x3FAD] =	sst s3  }
0xc: {  	[smem:$0x3FAE] =	sst s4  }
0xd: {  	[smem:$0x3FAF] =	sst s5  }
0xe: {  	[smem:$0x3FB0] =	sst s6  }
0xf: {  	[smem:$0x3FB1] =	sst s7  }
0x10: {  	[smem:$0x3FB2] =	sst s8  }
0x11: {  	[smem:$0x3FB3] =	sst s9;
	s0 =	simm.s32 @!p0 $0x0  }
0x12: {  	s1 =	sld [smem:$0x3F99];
	s0 =	simm.s32 @p0 $0x1  }
0x13: {  	[smem:$0x3FB4] =	sst s0;
	s0 =	simm.s32 @!p1 $0x0  }
0x14: {  	s2 =	sld [smem:$0x3F98];
	s0 =	simm.s32 @p1 $0x1  }
0x15: {  	[smem:$0x3FB5] =	sst s0;
	s0 =	simm.s32 @!p2 $0x0  }
0x16: {  	s3 =	sld [smem:$0x3FDB];
	s0 =	simm.s32 @p2 $0x1  }
0x17: {  	s4 =	simm.s32 $0x1BF5;
	[smem:$0x3FB7] =	sst s0  }
0x18: {  	s0 =	sld [smem:$0x3F9A];
	_ =	swait.ge [sflag:s4], $0x0  }
0x19: {  	s7 =	sld [smem:$0x3F9B]  }
0x1a: {  	s8 =	sadd.s32 $0xFFFFE003, lr  }
0x1b: {  	s9 =	sadd.s32 $0xFFFFFEF7, lr;
	s5 =	simm.s32 $0xFFFFFFFF;
	p2 =	slt.u32 s8, $0xFFFFF086  }
0x1c: {  	p1 =	slt.u32 s9, $0xF7A;
	s5 =	simm.s32 @!p2 $0x0  }
0x1d: {  	s5 =	simm.s32 @p1 $0x1;
	p0 =	seq.s32 s7, s2  }
0x1e: {  	s7 =	smul.u32 @!p0 $0xF7A, s2;
	p2 =	seq.s32 @!p0 s5, $0x0  }
0x1f: {  	s9 =	smul.u32 $0xF7A, s1;
	s8 =	simm.s32 @!p0 $0x1BF5;
	p2 =	por !p2, p0  }
0x20: {  	[sflag:s8] =	ssyncset.s32 @!p0 $0xFFFFF086;
	s6 =	sadd.s32 @!p0 s3, s7;
	s7 =	simm.s32 @!p0 $0x108  }
0x21: {  	s3 =	sadd.s32 s3, s9;
	s6 =	sadd.s32 @!p0 $0x88, s6;
	s7 =	simm.s32 @p2 $0x1082  }
0x22: {  	[simem:s7], [sflag:s8] =	dma.local @!p0 [hbm:s6], $0xF7A  }
0x23: {  	s9 =	sor.u32 $0xD0000000, s2;
	s6 =	simm.s32 $0x108;
	_ =	swait.ge @!p0 [sflag:s8], $0x0  }
0x24: {  	s3 =	sadd.s32 $0x88, s3;
	s6 =	simm.s32 @!p1 $0x1082;
	[sflag:s4] =	ssyncset.s32 $0xFFFFF086  }
0x25: {  	[simem:s6], [sflag:s4] =	dma.local [hbm:s3], $0xF7A  }
0x26: {  	[smem:$0x3F9B] =	sst s1;
	(tag) =	ssettag s2;
	_ =	strace s9  }
0x27: {  	s1 =	sld [smem:$0x3FAB]  }
0x28: {  	s2 =	sld [smem:$0x3FAC]  }
0x29: {  	s4 =	sld [smem:$0x3FAE]  }
0x2a: {  	p0 =	seq.s32 s5, $0x0;
	s5 =	sld [smem:$0x3FAF]  }
0x2b: {  	s6 =	sld [smem:$0x3FB0]  }
0x2c: {  	s7 =	sld [smem:$0x3FB1]  }
0x2d: {  	s3 =	simm.s32 $0x108;
	s8 =	sld [smem:$0x3FB2]  }
0x2e: {  	s3 =	simm.s32 @!p0 $0x1082;
	s9 =	sld [smem:$0x3FB3]  }
0x2f: {  	lr =	sadd.s32 s0, s3;
	s0 =	sld [smem:$0x3FAA]  }
0x30: {  	s3 =	sld [smem:$0x3FAD]  }
0x31: {  	[smem:$0x3FB6] =	sst s10  }
0x32: {  	s10 =	sld [smem:$0x3FB4];
	_ =	sdelay $0x3  }
0x33: {  	p0 =	seq.s32 s10, $0x1;
	s10 =	sld [smem:$0x3FB6];
	_ =	sdelay $0x3  }
0x34: {  	[smem:$0x3FB6] =	sst s10  }
0x35: {  	s10 =	sld [smem:$0x3FB5];
	_ =	sdelay $0x3  }
0x36: {  	p1 =	seq.s32 s10, $0x1;
	s10 =	sld [smem:$0x3FB6];
	_ =	sdelay $0x3  }
0x37: {  	[smem:$0x3FB6] =	sst s10  }
0x38: {  	s10 =	sld [smem:$0x3FB7]  }
0x39: {  	_ = 	snop;
	(pc) =	sbr.ind lr, $3  }
0x3a: {  	_ = 	snop  }
0x3b: {  	_ = 	snop  }
0x3c: {  	p2 =	seq.s32 s10, $0x1;
	s10 =	sld [smem:$0x3FB6]  }
0x3d: {  	_ =	shalt  }
0x3e: {  	_ =	shalt  }
0x3f: {  	_ =	shalt  }
0x40: {  	_ =	shalt  }
0x41: {  	_ =	shalt  }
0x42: {  	_ =	shalt  }
0x43: {  	_ =	shalt  }
0x44: {  	_ =	shalt  }
0x45: {  	_ =	shalt  }
0x46: {  	_ =	shalt  }
0x47: {  	_ =	shalt  }
0x48: {  	_ =	shalt  }
0x49: {  	_ =	shalt  }
0x4a: {  	_ =	shalt  }
0x4b: {  	_ =	shalt  }
0x4c: {  	_ =	shalt  }
0x4d: {  	_ =	shalt  }
0x4e: {  	_ =	shalt  }
0x4f: {  	_ =	shalt  }
0x50: {  	_ =	shalt  }
0x51: {  	_ =	shalt  }
0x52: {  	_ =	shalt  }
0x53: {  	_ =	shalt  }
0x54: {  	_ =	shalt  }
0x55: {  	_ =	shalt  }
0x56: {  	_ =	shalt  }
0x57: {  	_ =	shalt  }
0x58: {  	_ =	shalt  }
0x59: {  	_ =	shalt  }
0x5a: {  	_ =	shalt  }
0x5b: {  	_ =	shalt  }
0x5c: {  	_ =	shalt  }
0x5d: {  	_ =	shalt  }
0x5e: {  	_ =	shalt  }
0x5f: {  	_ =	shalt  }
0x60: {  	_ =	shalt  }
0x61: {  	_ =	shalt  }
0x62: {  	_ =	shalt  }
0x63: {  	_ =	shalt  }
0x64: {  	_ =	shalt  }
0x65: {  	_ =	shalt  }
0x66: {  	_ =	shalt  }
0x67: {  	_ =	shalt  }
0x68: {  	_ =	shalt  }
0x69: {  	_ =	shalt  }
0x6a: {  	_ =	shalt  }
0x6b: {  	_ =	shalt  }
0x6c: {  	_ =	shalt  }
0x6d: {  	_ =	shalt  }
0x6e: {  	_ =	shalt  }
0x6f: {  	_ =	shalt  }
0x70: {  	_ =	shalt  }
0x71: {  	_ =	shalt  }
0x72: {  	_ =	shalt  }
0x73: {  	_ =	shalt  }
0x74: {  	_ =	shalt  }
0x75: {  	_ =	shalt  }
0x76: {  	_ =	shalt  }
0x77: {  	_ =	shalt  }
0x78: {  	_ =	shalt  }
0x79: {  	_ =	shalt  }
0x7a: {  	_ =	shalt  }
0x7b: {  	_ =	shalt  }
0x7c: {  	_ =	shalt  }
0x7d: {  	_ =	shalt  }
0x7e: {  	_ =	shalt  }
0x7f: {  	_ =	shalt  }
0x80: {  	_ =	shalt  }
0x81: {  	_ =	shalt  }
0x82: {  	_ =	shalt  }
0x83: {  	_ =	shalt  }
0x84: {  	_ =	shalt  }
0x85: {  	_ =	shalt  }
0x86: {  	_ =	shalt  }
0x87: {  	_ =	shalt  }
.Lfunc_end0:
.L_simem_size_0:
called_computation_lowered:
.L_overlay_start_0:
0x88: {  	s2 =	sld [smem:$0x3FD9]  }
0x89: {  	s3 =	sld [smem:$0x3FFE];
	_ =	sdelay $0x1  }
0x8a: {  	s1 =	srdreg.scid  }
0x8b: {  	s0 =	sand.u32 $0x1, s1  }
0x8c: {  	s17 =	sshll.u32 s0, $0xA;
	s2 =	sadd.s32 s3, s2  }
0x8d: {  	s2 =	sadd.s32 s2, s17  }
0x8e: {  	[smem:$0x3FC2] =	sst s2  }
0x8f: {  	_ = 	snop  }
0x90: {  	s2 =	sld [smem:$0x3FD0];
	(tm) =	ssettm $0x1  }
0x91: {  	s18 =	sld [smem:$0x3FFB];
	_ =	sdelay $0x3  }
0x92: {  	_ =	strace s18  }
0x93: {  	s3 =	sld [smem:$0x3FFC];
	_ =	sdelay $0x3  }
0x94: {  	_ =	strace s3  }
0x95: {  	s3 =	sld [smem:$0x3FFD];
	_ =	sdelay $0x3  }
0x96: {  	_ =	strace s3  }
0x97: {  	_ =	strace $0x8FFFFFFF  }
0x98: {  	s19 =	sld [smem:$0x3FDB];
	_ =	sdelay $0x1  }
0x99: {  	s4 =	simm.s32 $_scs_section_size  }
0x9a: {  	s5 =	simm.s32 $_size__tile_overlayer_lowered;
	s6 =	simm.s32 $_tile_overlayer_lowered  }
0x9b: {  	s22 =	simm.s32 $0x1BFF;
	s21 =	sshll.u32 s6, $0x1;
	s3 =	sadd.s32 s4, s19  }
0x9c: {  	s7 =	simm.s32 $0x0;
	s20 =	sshll.u32 s5, $0x1;
	s5 =	sadd.s32 s21, s3  }
0x9d: {  	[timem:s7], [sflag:s22] =	dma.local [hbm:s5], s20  }
0x9e: {  	_ =	swait.ge [sflag:s22], s20  }
0x9f: {  	s4 =	ssub.s32 $0x0, s20;
	[sflag:s22] =	ssyncset.done $0x0  }
0xa0: {  	[sflag:s22] =	ssyncadd.s32 s4;
	_ =	sdelay $0x1  }
0xa1: {  	s23 =	simm.s32 $0x1B8B  }
0xa2: {  	_ =	swait.ge [sflag:s23], $0x1  }
0xa3: {  	[sflag:s23] =	ssyncset.done $0x0  }
0xa4: {  	s25 =	simm.s32 $0x1B8E;
	s24 =	sld [smem:$0x3FFE];
	[sflag:s23] =	ssyncadd.s32 $0xFFFFFFFF  }
0xa5: {  	s26 =	simm.s32 $execute0_lowered;
	[smem:$0x3FD2] =	sst s25  }
0xa6: {  	s5 =	sshll.u32 s26, $0x1;
	_ =	strace $0x80000046;
	[dreg:$0x1] =	wrdreg $0xFFFFFFFF  }
0xa7: {  	s28 =	simm.s32 $_size_execute0_lowered;
	s3 =	sadd.s32 s3, s5;
	[dreg:$0x0] =	wrdreg $0x0  }
0xa8: {  	s5 =	sshll.u32 s28, $0x1;
	[dreg:$0x2] =	wrdreg s3  }
0xa9: {  	[dreg:$0x3] =	wrdreg s5  }
0xaa: {  	[dreg:$0x4] =	wrdreg $0xC0  }
0xab: {  	_ =	task [dreg:s7], $0x5FFFF  }
0xac: {  	[dreg:$0x1] =	wrdreg $0xFFFFFFFF  }
0xad: {  	[dreg:$0x0] =	wrdreg $0x60  }
0xae: {  	[dreg:$0x2] =	wrdreg s2  }
0xaf: {  	[dreg:$0x3] =	wrdreg s24  }
0xb0: {  	[dreg:$0x4] =	wrdreg $0xC2000  }
0xb1: {  	[dreg:$0x5] =	wrdreg $0x9  }
0xb2: {  	_ =	task.clear_ibuf [dreg:s7], $0x6FFFF;
	_ =	strace $0x90000046  }
0xb3: {  	s29 =	simm.s32 $0x9;
	_ =	strace $0x8000004B  }
0xb4: {  	_ =	swait.ge [sflag:s29], $0x1  }
0xb5: {  	[sflag:s29] =	ssyncadd.s32 $0xFFFFFFFF  }
0xb6: {  	_ =	strace $0x9000004B  }
0xb7: {  	_ =	sfence  }
0xb8: {  	s30 =	sld [smem:$0x0];
	_ =	sdelay $0x2  }
0xb9: {  	s31 =	sshll.u32 s1, $0xD;
	s1 =	sshrl.u32 s1, $0x2  }
0xba: {  	s3 =	sand.u32 $0x4000, s31;
	s1 =	sadd.s32 s1, s30  }
0xbb: {  	s0 =	sor.u32 s3, s0;
	s1 =	sshll.u32 s1, $0x11  }
0xbc: {  	s0 =	sor.u32 s1, s0  }
0xbd: {  	s0 =	sadd.s32 $0x8F2B, s0  }
0xbe: {  	[sflag:s0] =	ssyncadd.remote.s32 $0x1  }
0xbf: {  	_ =	sfence.sel $0xFFFF  }
0xc0: {  	[dreg:$0x0] =	wrdreg $0xFFFFFFFF;
	(pc) =	sbr.abs _section_cstart, $3  }
0xc1: {  	[dreg:$0x1] =	wrdreg $0xFFFFFFFF  }
0xc2: {  	_ =	task.clear_ibuf [dreg:s7], $0x2FFFF;
	_ =	strace $0x9FFFFFFF  }
0xc3: {  	(tm) =	ssettm $0x7FFFFFFF  }
tec
execute0_lowered:
.L_overlay_start_1:
0x0: {  	(tag) =	ssettag $0x1  }
0x1: {  	s1 =	rddreg [dreg:$0x0]  }
0x2: {  	s0 =	rddreg [dreg:$0x1]  }
0x3: {  	s3 =	rddreg [dreg:$0x2];
	s4 =	simm.s32 $0x0;
	s2 =	srdreg.scid  }
0x4: {  	s8 =	stileid.u32;
	s10 =	simm.s32 $0x40;
	s28 =	simm.s32 $0x8200  }
0x5: {  	s29 =	simm.s32 $0x2;
	s30 =	simm.s32 $0x4180;
	s31 =	simm.s32 $0x3  }
0x6: {  	[smem:$0x7FF] =	sst s4;
	s2 =	sand.u32 $0x1, s2;
	s19 =	smul.u32 $0x4F000, s8  }
0x7: {  	s5 =	sshll.u32 s8, $0x9;
	s6 =	sshll.u32 s8, $0xB;
	s12 =	smul.u32 $0x13C00, s8  }
0x8: {  	s20 =	sadd.s32 $0xB600, s0;
	p0 =	seq.s32 s2, $0x0;
	s5 =	sor.u32 $0x8000, s5  }
0x9: {  	_ =	strace $0x80000047;
	s7 =	ssub.s32 $0x2, s2;
	[dreg:$0x4] =	wrdreg s20  }
0xa: {  	s2 =	smul.u32 $0x13C000, s2;
	s20 =	simm.s32 $0x4200;
	s5 =	smov.u32 @p0 s6  }
0xb: {  	s21 =	sshrl.u32 s7, $0x1;
	s6 =	sshrl.u32 s19, $0x2;
	s14 =	sadd.s32 $0x4000, s12  }
0xc: {  	s16 =	sadd.s32 $0x8000, s12;
	s17 =	sadd.s32 $0xC000, s12;
	s18 =	sadd.s32 $0x10000, s12  }
0xd: {  	s10 =	simm.s32 @!p0 $0x10;
	s5 =	sadd.s32 s5, s0;
	s0 =	sadd.s32 $0xBE00, s0  }
0xe: {  	s13 =	ssub.s32 s7, s21;
	s6 =	sadd.s32 s6, s3;
	s7 =	sadd.s32 s14, s3  }
0xf: {  	s8 =	sadd.s32 s16, s3;
	s9 =	sadd.s32 s17, s3;
	s11 =	sadd.s32 s18, s3  }
0x10: {  	s15 =	sadd.s32 s12, s2;
	s12 =	sadd.s32 $0xFFFFFFFF, s10;
	s14 =	sadd.s32 s2, s14  }
0x11: {  	s24 =	sadd.s32 s2, s16;
	s25 =	sadd.s32 s2, s17;
	s2 =	sadd.s32 s2, s18  }
0x12: {  	s21 =	simm.s32 $0x5;
	s15 =	sshrl.u32 s15, $0x3;
	s5 =	sadd.s32 $0xE00, s5  }
0x13: {  	s23 =	sshrl.u32 s14, $0x3;
	s14 =	sshrl.u32 s25, $0x3;
	s2 =	sshrl.u32 s2, $0x3  }
0x14: {  	s19 =	smax.u32 s13, $0x1;
	[dreg:$0x5] =	wrdreg s5;
	s22 =	sadd.s32 s0, s15  }
0x15: {  	s25 =	simm.s32 $0x4100;
	s5 =	sadd.s32 s0, s23;
	[dreg:$0x6] =	wrdreg s22  }
0x16: {  	s26 =	sadd.s32 s0, s14;
	s18 =	sadd.s32 s0, s2;
	[dreg:$0x7] =	wrdreg s5  }
0x17: {  	s2 =	simm.s32 $0x0;
	s5 =	sshrl.u32 s24, $0x3;
	[dreg:$0x9] =	wrdreg s26  }
0x18: {  	s22 =	simm.s32 $0x80;
	s24 =	simm.s32 $0x1;
	s5 =	sadd.s32 s0, s5  }
0x19: {  	s26 =	simm.s32 $0x4080;
	s0 =	simm.s32 $0x4;
	[dreg:$0x8] =	wrdreg s5  }
.LBB2_1:
0x1a: {  	_ =	strace $0x80000048  }
0x1b: {  	s5 =	rddreg [dreg:$0x4]  }
0x1c: {  	[tilespmem:s20], [sflag:$0x5] =	stream.linear.gather [hbm4b:s5+s4], $0x4000, $0x200038;
	[tilespmem:$0x1FE00] =	vst v63  }
0x1d: {  	_ =	swait.ge [sflag:s21], $0x4000  }
0x1e: {  	[sflag:s21] =	ssyncset.done $0x0  }
0x1f: {  	[sflag:s21] =	ssyncadd.s32 $0xFFFFC000  }
0x20: {  	[spmem:s6] =	stream.linear.scatter [tilespmem:s20], [sflag:$0x5], $0x4000, $0x200038;
	[tilespmem:$0x1FE00] =	vst v63  }
0x21: {  	_ =	swait.ge [sflag:s21], $0x4000  }
0x22: {  	[sflag:s21] =	ssyncset.done $0x0  }
0x23: {  	[sflag:s21] =	ssyncadd.s32 $0xFFFFC000  }
0x24: {  	[spmem:s7] =	stream.linear.scatter [tilespmem:s20], [sflag:$0x5], $0x4000, $0x200038;
	[tilespmem:$0x1FE00] =	vst v63  }
0x25: {  	_ =	swait.ge [sflag:s21], $0x4000  }
0x26: {  	[sflag:s21] =	ssyncset.done $0x0  }
0x27: {  	[sflag:s21] =	ssyncadd.s32 $0xFFFFC000  }
0x28: {  	[spmem:s8] =	stream.linear.scatter [tilespmem:s20], [sflag:$0x5], $0x4000, $0x200038;
	[tilespmem:$0x1FE00] =	vst v63  }
0x29: {  	_ =	swait.ge [sflag:s21], $0x4000  }
0x2a: {  	[sflag:s21] =	ssyncset.done $0x0  }
0x2b: {  	[sflag:s21] =	ssyncadd.s32 $0xFFFFC000  }
0x2c: {  	[spmem:s9] =	stream.linear.scatter [tilespmem:s20], [sflag:$0x5], $0x4000, $0x200038;
	[tilespmem:$0x1FE00] =	vst v63  }
0x2d: {  	_ =	swait.ge [sflag:s21], $0x4000  }
0x2e: {  	[sflag:s21] =	ssyncset.done $0x0  }
0x2f: {  	[sflag:s21] =	ssyncadd.s32 $0xFFFFC000  }
0x30: {  	[spmem:s11] =	stream.linear.scatter [tilespmem:s20], [sflag:$0x5], $0x3C00, $0x200038;
	[tilespmem:$0x1FE00] =	vst v63  }
0x31: {  	_ =	swait.ge [sflag:s21], $0x3C00  }
0x32: {  	[sflag:s21] =	ssyncset.done $0x0  }
0x33: {  	[sflag:s21] =	ssyncadd.s32 $0xFFFFC400  }
0x34: {  	[bflag:$0x0] =	sbarrier.arrive $0xFFFF  }
0x35: {  	_ =	strace $0x90000048  }
0x36: {  	_ =	strace $0x80000049  }
0x37: {  	s17 =	rddreg [dreg:$0x5]  }
0x38: {  	[tilespmem:s4], [sflag:$0x5] =	stream.linear.gather [hbm4b:s17+s4], $0x4000, $0x200038;
	[tilespmem:$0x1FE00] =	vst v63  }
0x39: {  	_ =	swait.ge [sflag:s21], $0x4000  }
0x3a: {  	[sflag:s21] =	ssyncset.done $0x0  }
0x3b: {  	[sflag:s21] =	ssyncadd.s32 $0xFFFFC000  }
0x3c: {  	v0 =	vld [tilespmem:$0x0];
	_ =	sdelay $0x1  }
0x3d: {  	v1 =	vld [tilespmem:$0x10];
	_ =	sdelay $0x1  }
0x3e: {  	v2 =	vld [tilespmem:$0x20]  }
0x3f: {  	v3 =	vand.u32 $0xFFFF, v0  }
0x40: {  	v0 =	vshrl.u32 v0, $0x10;
	[tilespmem:$0x4000] =	vst v3;
	v3 =	vld [tilespmem:$0x30]  }
0x41: {  	[tilespmem:$0x4100] =	vst v0;
	v0 =	vand.u32 $0xFFFF, v1  }
0x42: {  	[tilespmem:$0x4010] =	vst v0;
	v0 =	vshrl.u32 v1, $0x10;
	v1 =	vld [tilespmem:$0x40]  }
0x43: {  	[tilespmem:$0x4110] =	vst v0;
	v0 =	vand.u32 $0xFFFF, v2  }
0x44: {  	[tilespmem:$0x4020] =	vst v0;
	v0 =	vshrl.u32 v2, $0x10;
	v2 =	vld [tilespmem:$0x50]  }
0x45: {  	[tilespmem:$0x4120] =	vst v0;
	v0 =	vand.u32 $0xFFFF, v3  }
0x46: {  	[tilespmem:$0x4030] =	vst v0;
	v0 =	vshrl.u32 v3, $0x10;
	v3 =	vld [tilespmem:$0x60]  }
0x47: {  	[tilespmem:$0x4130] =	vst v0;
	v0 =	vand.u32 $0xFFFF, v1  }
0x48: {  	[tilespmem:$0x4040] =	vst v0;
	v0 =	vshrl.u32 v1, $0x10;
	v1 =	vld [tilespmem:$0x70]  }
0x49: {  	[tilespmem:$0x4140] =	vst v0;
	v0 =	vand.u32 $0xFFFF, v2  }
0x4a: {  	[tilespmem:$0x4050] =	vst v0;
	v0 =	vshrl.u32 v2, $0x10  }
0x4b: {  	[tilespmem:$0x4150] =	vst v0;
	v0 =	vand.u32 $0xFFFF, v3  }
0x4c: {  	[tilespmem:$0x4060] =	vst v0;
	v0 =	vshrl.u32 v3, $0x10  }
0x4d: {  	[tilespmem:$0x4160] =	vst v0;
	v0 =	vand.u32 $0xFFFF, v1  }
0x4e: {  	[tilespmem:$0x4070] =	vst v0;
	v0 =	vshrl.u32 v1, $0x10  }
0x4f: {  	s23 =	simm.s32 $0x4000;
	[tilespmem:$0x4170] =	vst v0  }
0x50: {  	[tilespmem:s20], [sflag:$0x1] =	stream.indirect.gather [hbm4b:s1+s22], $0x80, s23, s22, $0x2000b8;
	[tilespmem:$0x1FE00] =	vst v63  }
0x51: {  	_ =	swait.ge [sflag:s24], $0x4000  }
0x52: {  	p0 =	por $0x1, $0x1;
	[sflag:s24] =	ssyncset.done $0x0  }
0x53: {  	s5 =	simm.s32 @!p0 $0x4;
	[sflag:s24] =	ssyncadd.s32 $0xFFFFC000  }
0x54: {  	[spmem:s3] =	stream.indirect.scatter.add.f32 [tilespmem:s20], [sflag:$0x3], $0x80, s25, s22, $0x2000b8;
	[tilespmem:$0x1FE00] =	vst v63  }
0x55: {  	_ =	swait.ge @!p0 [sflag:s5], $0x4000  }
0x56: {  	[sflag:s5] =	ssyncset.done @!p0 $0x0  }
0x57: {  	s23 =	simm.s32 $0xC0;
	[sflag:s5] =	ssyncadd.s32 @!p0 $0xFFFFC000  }
0x58: {  	v0 =	vld [tilespmem:s23+$0xFFFFFFC0];
	_ =	sdelay $0x4  }
0x59: {  	v1 =	vand.u32 $0xFFFF, v0  }
0x5a: {  	v0 =	vshrl.u32 v0, $0x10;
	[tilespmem:$0x4080] =	vst v1  }
0x5b: {  	[tilespmem:$0x4180] =	vst v0  }
0x5c: {  	v0 =	vld [tilespmem:s23+$0xFFFFFFD0];
	_ =	sdelay $0x4  }
0x5d: {  	v1 =	vand.u32 $0xFFFF, v0  }
0x5e: {  	v0 =	vshrl.u32 v0, $0x10;
	[tilespmem:$0x4090] =	vst v1  }
0x5f: {  	[tilespmem:$0x4190] =	vst v0  }
0x60: {  	v0 =	vld [tilespmem:s23+$0xFFFFFFE0];
	_ =	sdelay $0x4  }
0x61: {  	v1 =	vand.u32 $0xFFFF, v0  }
0x62: {  	v0 =	vshrl.u32 v0, $0x10;
	[tilespmem:$0x40A0] =	vst v1  }
0x63: {  	[tilespmem:$0x41A0] =	vst v0  }
0x64: {  	v0 =	vld [tilespmem:s23+$0xFFFFFFF0];
	_ =	sdelay $0x4  }
0x65: {  	v1 =	vand.u32 $0xFFFF, v0  }
0x66: {  	v0 =	vshrl.u32 v0, $0x10;
	[tilespmem:$0x40B0] =	vst v1  }
0x67: {  	[tilespmem:$0x41B0] =	vst v0  }
0x68: {  	v0 =	vld [tilespmem:s23+$0x0];
	_ =	sdelay $0x4  }
0x69: {  	v1 =	vand.u32 $0xFFFF, v0  }
0x6a: {  	v0 =	vshrl.u32 v0, $0x10;
	[tilespmem:$0x40C0] =	vst v1  }
0x6b: {  	[tilespmem:$0x41C0] =	vst v0  }
0x6c: {  	v0 =	vld [tilespmem:s23+$0x10];
	_ =	sdelay $0x4  }
0x6d: {  	v1 =	vand.u32 $0xFFFF, v0  }
0x6e: {  	v0 =	vshrl.u32 v0, $0x10;
	[tilespmem:$0x40D0] =	vst v1  }
0x6f: {  	[tilespmem:$0x41D0] =	vst v0  }
0x70: {  	v0 =	vld [tilespmem:s23+$0x20];
	_ =	sdelay $0x4  }
0x71: {  	v1 =	vand.u32 $0xFFFF, v0  }
0x72: {  	v0 =	vshrl.u32 v0, $0x10;
	[tilespmem:$0x40E0] =	vst v1  }
0x73: {  	[tilespmem:$0x41E0] =	vst v0  }
0x74: {  	v0 =	vld [tilespmem:s23+$0x30];
	_ =	sdelay $0x4  }
0x75: {  	v1 =	vand.u32 $0xFFFF, v0  }
0x76: {  	v0 =	vshrl.u32 v0, $0x10;
	[tilespmem:$0x40F0] =	vst v1  }
0x77: {  	[tilespmem:$0x41F0] =	vst v0  }
0x78: {  	[tilespmem:s28], [sflag:$0x2] =	stream.indirect.gather [hbm4b:s1+s22], $0x80, s26, s22, $0x2000b8;
	[tilespmem:$0x1FE00] =	vst v63  }
0x79: {  	_ =	swait.ge [sflag:s29], $0x4000  }
0x7a: {  	[sflag:s29] =	ssyncset.done $0x0  }
0x7b: {  	[sflag:s29] =	ssyncadd.s32 $0xFFFFC000  }
0x7c: {  	[spmem:s3] =	stream.indirect.scatter.add.f32 [tilespmem:s28], [sflag:$0x4], $0x80, s30, s22, $0x2000b8;
	[tilespmem:$0x1FE00] =	vst v63  }
0x7d: {  	_ =	swait.ge [sflag:s31], $0x4000  }
0x7e: {  	[sflag:s31] =	ssyncset.done $0x0  }
0x7f: {  	p1 =	sle.s32 s12, $0x0;
	[sflag:s31] =	ssyncadd.s32 $0xFFFFC000  }
0x80: {  	v0 =	vld @!p1 [tilespmem:s23+$0x40];
	_ =	sdelay $0x4  }
0x81: {  	v1 =	vand.u32 @!p1 $0xFFFF, v0  }
0x82: {  	v0 =	vshrl.u32 @!p1 v0, $0x10;
	[tilespmem:$0x4000] =	vst @!p1 v1  }
0x83: {  	[tilespmem:$0x4100] =	vst @!p1 v0  }
0x84: {  	v0 =	vld @!p1 [tilespmem:s23+$0x50];
	_ =	sdelay $0x4  }
0x85: {  	v1 =	vand.u32 @!p1 $0xFFFF, v0  }
0x86: {  	v0 =	vshrl.u32 @!p1 v0, $0x10;
	[tilespmem:$0x4010] =	vst @!p1 v1  }
0x87: {  	[tilespmem:$0x4110] =	vst @!p1 v0  }
0x88: {  	v0 =	vld @!p1 [tilespmem:s23+$0x60];
	_ =	sdelay $0x4  }
0x89: {  	v1 =	vand.u32 @!p1 $0xFFFF, v0  }
0x8a: {  	v0 =	vshrl.u32 @!p1 v0, $0x10;
	[tilespmem:$0x4020] =	vst @!p1 v1  }
0x8b: {  	[tilespmem:$0x4120] =	vst @!p1 v0  }
0x8c: {  	v0 =	vld @!p1 [tilespmem:s23+$0x70];
	_ =	sdelay $0x4  }
0x8d: {  	v1 =	vand.u32 @!p1 $0xFFFF, v0  }
0x8e: {  	v0 =	vshrl.u32 @!p1 v0, $0x10;
	[tilespmem:$0x4030] =	vst @!p1 v1  }
0x8f: {  	[tilespmem:$0x4130] =	vst @!p1 v0  }
0x90: {  	v0 =	vld @!p1 [tilespmem:s23+$0x80];
	_ =	sdelay $0x4  }
0x91: {  	v1 =	vand.u32 @!p1 $0xFFFF, v0  }
0x92: {  	v0 =	vshrl.u32 @!p1 v0, $0x10;
	[tilespmem:$0x4040] =	vst @!p1 v1  }
0x93: {  	[tilespmem:$0x4140] =	vst @!p1 v0  }
0x94: {  	v0 =	vld @!p1 [tilespmem:s23+$0x90]  }
0x95: {  	p0 =	sne.s32 s10, $0x1  }
.Ltmp0:
0x96: {  	_ = 	snop;
	(pc) =	sbr.rel @!p0 .LBB2_3-.Ltmp0, $3  }
0x97: {  	_ =	sdelay $0x1  }
0x98: {  	v1 =	vand.u32 @!p1 $0xFFFF, v0  }
0x99: {  	s13 =	simm.s32 $0xC0;
	s5 =	simm.s32 $0x1;
	v0 =	vshrl.u32 @!p1 v0, $0x10;
	[tilespmem:$0x4050] =	vst @!p1 v1  }
.LBB2_2:
0x9a: {  	[tilespmem:$0x4150] =	vst @!p1 v0;
	s13 =	sadd.s32 $0x100, s13;
	s14 =	smov.u32 s5;
	s5 =	sadd.s32 $0x1, s5  }
0x9b: {  	p0 =	sne.s32 s10, s5;
	v0 =	vld @!p1 [tilespmem:s23+$0xA0];
	_ =	sdelay $0x4  }
0x9c: {  	v1 =	vand.u32 @!p1 $0xFFFF, v0;
	v0 =	vshrl.u32 @!p1 v0, $0x10  }
0x9d: {  	[tilespmem:$0x4060] =	vst @!p1 v1  }
0x9e: {  	[tilespmem:$0x4160] =	vst @!p1 v0  }
0x9f: {  	v0 =	vld @!p1 [tilespmem:s23+$0xB0];
	s23 =	smov.u32 s13;
	_ =	sdelay $0x4  }
0xa0: {  	v1 =	vand.u32 @!p1 $0xFFFF, v0;
	v0 =	vshrl.u32 @!p1 v0, $0x10  }
0xa1: {  	s15 =	simm.s32 @!p1 $0x80;
	s16 =	simm.s32 @!p1 $0x4000;
	s17 =	simm.s32 @!p1 $0x4200;
	[tilespmem:$0x4070] =	vst @!p1 v1  }
0xa2: {  	[tilespmem:$0x4170] =	vst @!p1 v0  }
0xa3: {  	[tilespmem:s17], [sflag:$0x1] =	stream.indirect.gather @!p1 [hbm4b:s1+s15], $0x80, s16, s15, $0x2000b8;
	[tilespmem:$0x1FE00] =	vst v63  }
0xa4: {  	_ =	swait.ge [sflag:s24], $0x4000  }
0xa5: {  	p1 =	seq.s32 s14, $0x0;
	[sflag:s24] =	ssyncset.done $0x0  }
0xa6: {  	s15 =	simm.s32 @!p1 $0x4;
	[sflag:s24] =	ssyncadd.s32 $0xFFFFC000  }
0xa7: {  	[spmem:s3] =	stream.indirect.scatter.add.f32 [tilespmem:s20], [sflag:$0x3], $0x80, s25, s22, $0x2000b8;
	[tilespmem:$0x1FE00] =	vst v63  }
0xa8: {  	_ =	swait.ge @!p1 [sflag:s15], $0x4000  }
0xa9: {  	[sflag:s15] =	ssyncset.done @!p1 $0x0  }
0xaa: {  	[sflag:s15] =	ssyncadd.s32 @!p1 $0xFFFFC000  }
0xab: {  	v0 =	vld [tilespmem:s13+$0xFFFFFFC0];
	_ =	sdelay $0x4  }
0xac: {  	v1 =	vand.u32 $0xFFFF, v0;
	v0 =	vshrl.u32 v0, $0x10  }
0xad: {  	[tilespmem:$0x4080] =	vst v1  }
0xae: {  	[tilespmem:$0x4180] =	vst v0  }
0xaf: {  	v0 =	vld [tilespmem:s13+$0xFFFFFFD0];
	_ =	sdelay $0x4  }
0xb0: {  	v1 =	vand.u32 $0xFFFF, v0;
	v0 =	vshrl.u32 v0, $0x10  }
0xb1: {  	[tilespmem:$0x4090] =	vst v1  }
0xb2: {  	[tilespmem:$0x4190] =	vst v0  }
0xb3: {  	v0 =	vld [tilespmem:s13+$0xFFFFFFE0];
	_ =	sdelay $0x4  }
0xb4: {  	v1 =	vand.u32 $0xFFFF, v0;
	v0 =	vshrl.u32 v0, $0x10  }
0xb5: {  	[tilespmem:$0x40A0] =	vst v1  }
0xb6: {  	[tilespmem:$0x41A0] =	vst v0  }
0xb7: {  	v0 =	vld [tilespmem:s13+$0xFFFFFFF0];
	_ =	sdelay $0x4  }
0xb8: {  	v1 =	vand.u32 $0xFFFF, v0;
	v0 =	vshrl.u32 v0, $0x10  }
0xb9: {  	[tilespmem:$0x40B0] =	vst v1  }
0xba: {  	[tilespmem:$0x41B0] =	vst v0  }
0xbb: {  	v0 =	vld [tilespmem:s13+$0x0];
	_ =	sdelay $0x4  }
0xbc: {  	v1 =	vand.u32 $0xFFFF, v0;
	v0 =	vshrl.u32 v0, $0x10  }
0xbd: {  	[tilespmem:$0x40C0] =	vst v1  }
0xbe: {  	[tilespmem:$0x41C0] =	vst v0  }
0xbf: {  	v0 =	vld [tilespmem:s13+$0x10];
	_ =	sdelay $0x4  }
0xc0: {  	v1 =	vand.u32 $0xFFFF, v0;
	v0 =	vshrl.u32 v0, $0x10  }
0xc1: {  	[tilespmem:$0x40D0] =	vst v1  }
0xc2: {  	[tilespmem:$0x41D0] =	vst v0  }
0xc3: {  	v0 =	vld [tilespmem:s13+$0x20];
	_ =	sdelay $0x4  }
0xc4: {  	v1 =	vand.u32 $0xFFFF, v0;
	v0 =	vshrl.u32 v0, $0x10  }
0xc5: {  	[tilespmem:$0x40E0] =	vst v1  }
0xc6: {  	[tilespmem:$0x41E0] =	vst v0  }
0xc7: {  	v0 =	vld [tilespmem:s13+$0x30];
	_ =	sdelay $0x4  }
0xc8: {  	v1 =	vand.u32 $0xFFFF, v0;
	v0 =	vshrl.u32 v0, $0x10  }
0xc9: {  	[tilespmem:$0x40F0] =	vst v1  }
0xca: {  	[tilespmem:$0x41F0] =	vst v0  }
0xcb: {  	[tilespmem:s28], [sflag:$0x2] =	stream.indirect.gather [hbm4b:s1+s22], $0x80, s26, s22, $0x2000b8;
	[tilespmem:$0x1FE00] =	vst v63  }
0xcc: {  	_ =	swait.ge [sflag:s29], $0x4000  }
0xcd: {  	[sflag:s29] =	ssyncset.done $0x0  }
0xce: {  	[sflag:s29] =	ssyncadd.s32 $0xFFFFC000  }
0xcf: {  	[spmem:s3] =	stream.indirect.scatter.add.f32 [tilespmem:s28], [sflag:$0x4], $0x80, s30, s22, $0x2000b8;
	[tilespmem:$0x1FE00] =	vst v63  }
0xd0: {  	_ =	swait.ge [sflag:s31], $0x4000  }
0xd1: {  	[sflag:s31] =	ssyncset.done $0x0  }
0xd2: {  	p1 =	sge.s32 s14, s12;
	[sflag:s31] =	ssyncadd.s32 $0xFFFFC000  }
0xd3: {  	v0 =	vld @!p1 [tilespmem:s13+$0x40];
	_ =	sdelay $0x4  }
0xd4: {  	v1 =	vand.u32 @!p1 $0xFFFF, v0;
	v0 =	vshrl.u32 @!p1 v0, $0x10  }
0xd5: {  	[tilespmem:$0x4000] =	vst @!p1 v1  }
0xd6: {  	[tilespmem:$0x4100] =	vst @!p1 v0  }
0xd7: {  	v0 =	vld @!p1 [tilespmem:s13+$0x50];
	_ =	sdelay $0x4  }
0xd8: {  	v1 =	vand.u32 @!p1 $0xFFFF, v0;
	v0 =	vshrl.u32 @!p1 v0, $0x10  }
0xd9: {  	[tilespmem:$0x4010] =	vst @!p1 v1  }
0xda: {  	[tilespmem:$0x4110] =	vst @!p1 v0  }
0xdb: {  	v0 =	vld @!p1 [tilespmem:s13+$0x60];
	_ =	sdelay $0x4  }
0xdc: {  	v1 =	vand.u32 @!p1 $0xFFFF, v0;
	v0 =	vshrl.u32 @!p1 v0, $0x10  }
0xdd: {  	[tilespmem:$0x4020] =	vst @!p1 v1  }
0xde: {  	[tilespmem:$0x4120] =	vst @!p1 v0  }
0xdf: {  	v0 =	vld @!p1 [tilespmem:s13+$0x70];
	_ =	sdelay $0x4  }
0xe0: {  	v1 =	vand.u32 @!p1 $0xFFFF, v0;
	v0 =	vshrl.u32 @!p1 v0, $0x10  }
0xe1: {  	[tilespmem:$0x4030] =	vst @!p1 v1  }
0xe2: {  	[tilespmem:$0x4130] =	vst @!p1 v0  }
0xe3: {  	v0 =	vld @!p1 [tilespmem:s13+$0x80];
	_ =	sdelay $0x4  }
0xe4: {  	v1 =	vand.u32 @!p1 $0xFFFF, v0;
	v0 =	vshrl.u32 @!p1 v0, $0x10  }
0xe5: {  	[tilespmem:$0x4040] =	vst @!p1 v1  }
0xe6: {  	[tilespmem:$0x4140] =	vst @!p1 v0  }
0xe7: {  	v0 =	vld @!p1 [tilespmem:s13+$0x90];
	_ =	sdelay $0x1  }
.Ltmp1:
0xe8: {  	(pc) =	sbr.rel @p0 .LBB2_2-.Ltmp1, $3  }
0xe9: {  	_ =	sdelay $0x1  }
0xea: {  	v1 =	vand.u32 @!p1 $0xFFFF, v0;
	v0 =	vshrl.u32 @!p1 v0, $0x10  }
0xeb: {  	[tilespmem:$0x4050] =	vst @!p1 v1  }
.LBB2_3:
0xec: {  	[tilespmem:$0x4150] =	vst @!p1 v0  }
0xed: {  	v0 =	vld @!p1 [tilespmem:s23+$0xA0];
	_ =	sdelay $0x4  }
0xee: {  	v1 =	vand.u32 @!p1 $0xFFFF, v0  }
0xef: {  	v0 =	vshrl.u32 @!p1 v0, $0x10;
	[tilespmem:$0x4060] =	vst @!p1 v1  }
0xf0: {  	[tilespmem:$0x4160] =	vst @!p1 v0  }
0xf1: {  	v0 =	vld @!p1 [tilespmem:s23+$0xB0];
	_ =	sdelay $0x4  }
0xf2: {  	v1 =	vand.u32 @!p1 $0xFFFF, v0  }
0xf3: {  	v0 =	vshrl.u32 @!p1 v0, $0x10;
	[tilespmem:$0x4070] =	vst @!p1 v1  }
0xf4: {  	s5 =	simm.s32 @!p1 $0x80;
	s13 =	simm.s32 @!p1 $0x4000;
	s14 =	simm.s32 @!p1 $0x4200;
	[tilespmem:$0x4170] =	vst @!p1 v0  }
0xf5: {  	[tilespmem:s14], [sflag:$0x1] =	stream.indirect.gather @!p1 [hbm4b:s1+s5], $0x80, s13, s5, $0x2000b8;
	[tilespmem:$0x1FE00] =	vst v63  }
0xf6: {  	_ =	swait.ge [sflag:s0], $0x4000  }
0xf7: {  	[sflag:s0] =	ssyncset.done $0x0  }
0xf8: {  	[sflag:s0] =	ssyncadd.s32 $0xFFFFC000  }
0xf9: {  	[bflag:$0x0] =	sbarrier.arrive $0xFFFF  }
0xfa: {  	_ =	strace $0x90000049  }
0xfb: {  	_ =	strace $0x8000004A  }
0xfc: {  	[tilespmem:s20], [sflag:$0x5] =	stream.linear.gather [spmem:s6], $0x4000, $0x200038;
	[tilespmem:$0x1FE00] =	vst v63  }
0xfd: {  	_ =	swait.ge [sflag:s21], $0x4000  }
0xfe: {  	[sflag:s21] =	ssyncset.done $0x0  }
0xff: {  	s15 =	rddreg [dreg:$0x6];
	[sflag:s21] =	ssyncadd.s32 $0xFFFFC000  }
0x100: {  	[hbm4b:s15+s4] =	stream.linear.scatter [tilespmem:s20], [sflag:$0x5], $0x4000, $0x200038;
	[tilespmem:$0x1FE00] =	vst v63  }
0x101: {  	_ =	swait.ge [sflag:s21], $0x4000  }
0x102: {  	[sflag:s21] =	ssyncset.done $0x0  }
0x103: {  	[sflag:s21] =	ssyncadd.s32 $0xFFFFC000  }
0x104: {  	[tilespmem:s20], [sflag:$0x5] =	stream.linear.gather [spmem:s7], $0x4000, $0x200038;
	[tilespmem:$0x1FE00] =	vst v63  }
0x105: {  	_ =	swait.ge [sflag:s21], $0x4000  }
0x106: {  	[sflag:s21] =	ssyncset.done $0x0  }
0x107: {  	s16 =	rddreg [dreg:$0x7];
	[sflag:s21] =	ssyncadd.s32 $0xFFFFC000  }
0x108: {  	[hbm4b:s16+s4] =	stream.linear.scatter [tilespmem:s20], [sflag:$0x5], $0x4000, $0x200038;
	[tilespmem:$0x1FE00] =	vst v63  }
0x109: {  	_ =	swait.ge [sflag:s21], $0x4000  }
0x10a: {  	[sflag:s21] =	ssyncset.done $0x0  }
0x10b: {  	[sflag:s21] =	ssyncadd.s32 $0xFFFFC000  }
0x10c: {  	[tilespmem:s20], [sflag:$0x5] =	stream.linear.gather [spmem:s8], $0x4000, $0x200038;
	[tilespmem:$0x1FE00] =	vst v63  }
0x10d: {  	_ =	swait.ge [sflag:s21], $0x4000  }
0x10e: {  	[sflag:s21] =	ssyncset.done $0x0  }
0x10f: {  	s17 =	rddreg [dreg:$0x8];
	[sflag:s21] =	ssyncadd.s32 $0xFFFFC000  }
0x110: {  	[hbm4b:s17+s4] =	stream.linear.scatter [tilespmem:s20], [sflag:$0x5], $0x4000, $0x200038;
	[tilespmem:$0x1FE00] =	vst v63  }
0x111: {  	_ =	swait.ge [sflag:s21], $0x4000  }
0x112: {  	[sflag:s21] =	ssyncset.done $0x0  }
0x113: {  	[sflag:s21] =	ssyncadd.s32 $0xFFFFC000  }
0x114: {  	[tilespmem:s20], [sflag:$0x5] =	stream.linear.gather [spmem:s9], $0x4000, $0x200038;
	[tilespmem:$0x1FE00] =	vst v63  }
0x115: {  	_ =	swait.ge [sflag:s21], $0x4000  }
0x116: {  	[sflag:s21] =	ssyncset.done $0x0  }
0x117: {  	s23 =	rddreg [dreg:$0x9];
	[sflag:s21] =	ssyncadd.s32 $0xFFFFC000  }
0x118: {  	[hbm4b:s23+s4] =	stream.linear.scatter [tilespmem:s20], [sflag:$0x5], $0x4000, $0x200038;
	[tilespmem:$0x1FE00] =	vst v63  }
0x119: {  	_ =	swait.ge [sflag:s21], $0x4000  }
0x11a: {  	[sflag:s21] =	ssyncset.done $0x0  }
0x11b: {  	[sflag:s21] =	ssyncadd.s32 $0xFFFFC000  }
0x11c: {  	[tilespmem:s20], [sflag:$0x5] =	stream.linear.gather [spmem:s11], $0x3C00, $0x200038;
	[tilespmem:$0x1FE00] =	vst v63  }
0x11d: {  	_ =	swait.ge [sflag:s21], $0x3C00  }
0x11e: {  	s2 =	sadd.s32 $0x1, s2;
	[sflag:s21] =	ssyncset.done $0x0  }
0x11f: {  	p0 =	sne.s32 s2, s19;
	[sflag:s21] =	ssyncadd.s32 $0xFFFFC400  }
0x120: {  	[hbm4b:s18+s4] =	stream.linear.scatter [tilespmem:s20], [sflag:$0x5], $0x3C00, $0x200038;
	[tilespmem:$0x1FE00] =	vst v63  }
.Ltmp2:
0x121: {  	_ = 	snop;
	(pc) =	sbr.rel @p0 .LBB2_1-.Ltmp2, $4  }
0x122: {  	_ =	swait.ge [sflag:s21], $0x3C00  }
0x123: {  	[sflag:s21] =	ssyncset.done $0x0  }
0x124: {  	[sflag:s21] =	ssyncadd.s32 $0xFFFFC400  }
0x125: {  	_ =	strace $0x9000004A  }
0x126: {  	_ =	sfence.sel $0x180000  }
0x127: {  	[bflag:$0x0] =	sbarrier.arrive $0xFFFF  }
0x128: {  	_ =	strace $0x90000047  }
0x129: {  	s0 =	stileid.u32;
	[bflag:$0x2] =	sbarrier.arrive $0xFFFF  }
0x12a: {  	p0 =	sne.s32 s0, $0x0;
	s0 =	rddreg [dreg:$0x3]  }
0x12b: {  	s0 =	sadd.s32 @!p0 $0x100000, s0  }
0x12c: {  	[sflag:s0] =	ssyncadd.tile.s32 @!p0 $0x1;
	_ =	shalt  }
.Lfunc_end2:
_tile_overlayer_lowered:
.L_overlay_start_2:
0x12d: {  	(tag) =	ssettag $0x2  }
0x12e: {  	s0 =	rddreg [dreg:$0x0];
	s2 =	stileid.u32  }
0x12f: {  	s1 =	rddreg [dreg:$0x1];
	p0 =	sne.s32 s2, $0x0  }
0x130: {  	s3 =	rddreg [dreg:$0x2];
	[bflag:$0x3] =	sbarrier.arrive $0xFFFF;
	s2 =	simm.s32 @!p0 $0x1C05  }
0x131: {  	[timem:s3], [sflag:s2] =	dma.local @!p0 [hbm:s0], s1  }
0x132: {  	s0 =	simm.s32 @!p0 $0x5  }
0x133: {  	_ =	swait.ge @!p0 [sflag:s0], s1  }
0x134: {  	s1 =	ssub.s32 @!p0 $0x0, s1;
	[sflag:s0] =	ssyncset.done @!p0 $0x0  }
0x135: {  	[sflag:s0] =	ssyncadd.s32 @!p0 s1  }
0x136: {  	[bflag:$0x3] =	sbarrier.arrive $0xFFFF  }
0x137: {  	_ =	shalt  }

</sc_bundles>
